<compile_context>
chip_gen: v7x
topology: tpu7x:2x2x1
jax: 0.10.2.dev20260603
libtpu: 0.0.44.dev20260713+nightly
codegen_flags: <defaults>
</compile_context>

<pallas_src>
import functools

import jax
import jax.numpy as jnp
from jax import lax
from jax.experimental import pallas as pl
from jax.experimental.pallas import tpu as pltpu
from jax.experimental.pallas import tpu_sc as plsc

LOC_DIM = 64
ACT_DIM = 32
FEAT_DIM = 16
FEAT_EMB_DIM = 32
OUT_DIM = 128

NUM_WORKERS = 32
TK = 2
CHUNK = TK * 128


def _feat_proj_tc(features2d, Wt, b2d, block_n=4096):
    n = features2d.shape[0]

    def body(x_ref, w_ref, b_ref, o_ref):
        o_ref[...] = (
            jnp.dot(x_ref[...], w_ref[...], preferred_element_type=jnp.float32)
            + b_ref[...]
        )

    return pl.pallas_call(
        body,
        grid=(n // block_n,),
        in_specs=[
            pl.BlockSpec((block_n, FEAT_DIM), lambda i: (i, 0)),
            pl.BlockSpec((FEAT_DIM, FEAT_EMB_DIM), lambda i: (0, 0)),
            pl.BlockSpec((1, FEAT_EMB_DIM), lambda i: (0, 0)),
        ],
        out_specs=pl.BlockSpec((block_n, FEAT_EMB_DIM), lambda i: (i, 0)),
        out_shape=jax.ShapeDtypeStruct((n, FEAT_EMB_DIM), jnp.float32),
    )(features2d, Wt, b2d)


def _assemble_sc(loc_tok2d, act_tok2d, feat_emb, loc_table, act_table):
    n = feat_emb.shape[0]
    per_w = n // NUM_WORKERS
    rows_w = per_w // 128
    steps = per_w // CHUNK
    ng = steps // 2
    mesh = plsc.VectorSubcoreMesh(core_axis_name="c", subcore_axis_name="s")

    buf_set = [
        pltpu.VMEM((TK, 128), jnp.int32),
        pltpu.VMEM((TK, 128), jnp.int32),
        pltpu.VMEM((CHUNK, LOC_DIM), jnp.float32),
        pltpu.VMEM((CHUNK, ACT_DIM), jnp.float32),
        pltpu.VMEM((CHUNK, FEAT_EMB_DIM), jnp.float32),
        pltpu.SemaphoreType.DMA,
        pltpu.SemaphoreType.DMA,
        pltpu.SemaphoreType.DMA,
    ]
    n_act = 1004

    @functools.partial(
        pl.kernel,
        out_type=jax.ShapeDtypeStruct((n, OUT_DIM), jnp.float32),
        mesh=mesh,
        scratch_types=buf_set + buf_set,
        compiler_params=pltpu.CompilerParams(use_tc_tiling_on_sc=False),
    )
    def k(loc_hbm, act_hbm, feat_hbm, ltab_hbm, atab_hbm, out_hbm, *scr):
        A, B = scr[:8], scr[8:16]
        sid = lax.axis_index("s")
        wid = sid * 2 + lax.axis_index("c")
        row0 = wid * rows_w
        tok0 = wid * per_w

        def idx_cp(S, c):
            rb = row0 + c * TK
            return [
                pltpu.make_async_copy(loc_hbm.at[pl.ds(rb, TK)], S[0], S[5]),
                pltpu.make_async_copy(act_hbm.at[pl.ds(rb, TK)], S[1], S[5]),
            ]

        def gathers(S, c):
            tb = tok0 + c * CHUNK
            cps = []
            for j in range(TK):
                cps.append(pltpu.make_async_copy(
                    ltab_hbm.at[S[0].at[j]], S[2].at[pl.ds(j * 128, 128)], S[6]))
                cps.append(pltpu.make_async_copy(
                    atab_hbm.at[S[1].at[j]], S[3].at[pl.ds(j * 128, 128)], S[6]))
            cps.append(pltpu.make_async_copy(
                feat_hbm.at[pl.ds(tb, CHUNK)], S[4], S[6]))
            return cps

        def writes(S, c):
            tb = tok0 + c * CHUNK
            return [
                pltpu.make_async_copy(
                    S[2], out_hbm.at[pl.ds(tb, CHUNK), pl.ds(0, LOC_DIM)], S[7]),
                pltpu.make_async_copy(
                    S[3], out_hbm.at[pl.ds(tb, CHUNK), pl.ds(LOC_DIM, ACT_DIM)], S[7]),
                pltpu.make_async_copy(
                    S[4], out_hbm.at[pl.ds(tb, CHUNK),
                                     pl.ds(LOC_DIM + ACT_DIM, FEAT_EMB_DIM)], S[7]),
            ]

        def start(cps):
            for cp in cps:
                cp.start()

        def wait(cps):
            for cp in cps:
                cp.wait()

        start(idx_cp(A, 0))
        wait(idx_cp(A, 0))
        start(gathers(A, 0))
        start(idx_cp(B, 1))

        def body(g, carry):
            a = 2 * g
            b = a + 1

            @pl.when(g > 0)
            def _():
                wait(writes(B, b))

            wait(idx_cp(B, b))
            start(gathers(B, b))
            wait(gathers(A, a))

            @pl.when(g < ng - 1)
            def _():
                start(idx_cp(A, a + 2))

            start(writes(A, a))
            wait(gathers(B, b))

            @pl.when(g < ng - 1)
            def _():
                start(idx_cp(B, b + 2))

            start(writes(B, b))

            @pl.when(g < ng - 1)
            def _():
                wait(writes(A, a))
                wait(idx_cp(A, a + 2))
                start(gathers(A, a + 2))

            @pl.when(g == ng - 1)
            def _():
                wait(writes(A, a))

            return carry

        lax.fori_loop(0, ng, body, 0)
        wait(writes(B, 1))

    return k(loc_tok2d, act_tok2d, feat_emb, loc_table, act_table)


def kernel(loc_tokens, act_tokens, features, loc_table, act_table, W, b):
    bsz, seq = loc_tokens.shape
    n = bsz * seq
    feat_emb = _feat_proj_tc(
        features.reshape(n, FEAT_DIM), W.T, b.reshape(1, FEAT_EMB_DIM))
    lt2 = loc_tokens.reshape(n // 128, 128).astype(jnp.int32)
    at2 = act_tokens.reshape(n // 128, 128).astype(jnp.int32)
    out = _assemble_sc(lt2, at2, feat_emb, loc_table, act_table)
    return out.reshape(bsz, seq, OUT_DIM)

# --- scband reference (transcript-rebuilt; emitter-appended) ---
"""Pipeline reference for scband-embedding-with-features-13967233646894 (READ-ONLY COPY).

The authoritative reference and input builder live on the scoring server;
editing this copy changes nothing except your own understanding.
"""

import jax, jax.numpy as jnp
import numpy as np

LOC_VOCAB = 100000 + 4
ACT_VOCAB = 1000 + 4
LOC_DIM = 64
ACT_DIM = 32
FEAT_DIM = 16
FEAT_EMB_DIM = 32
B = 4096
L = 200


def setup_inputs(seed: int = 0) -> dict:
    key = jax.random.key(seed)
    k1, k2, k3, k4, k5, k6, k7 = jax.random.split(key, 7)
    loc_tokens = jax.random.randint(k1, (B, L), 0, 100000, dtype=jnp.int64 if jax.config.jax_enable_x64 else jnp.int32)
    act_tokens = jax.random.randint(k2, (B, L), 0, 1000, dtype=jnp.int64 if jax.config.jax_enable_x64 else jnp.int32)
    features = jax.random.normal(k3, (B, L, FEAT_DIM), dtype=jnp.float32)
    loc_table = jax.random.normal(k4, (LOC_VOCAB, LOC_DIM), dtype=jnp.float32) * 0.02
    act_table = jax.random.normal(k5, (ACT_VOCAB, ACT_DIM), dtype=jnp.float32) * 0.02
    # feature projection Linear(feature_dim -> feature_emb_dim)
    bound = 1.0 / np.sqrt(FEAT_DIM)
    W = jax.random.uniform(k6, (FEAT_EMB_DIM, FEAT_DIM), dtype=jnp.float32, minval=-bound, maxval=bound)
    b = jax.random.uniform(k7, (FEAT_EMB_DIM,), dtype=jnp.float32, minval=-bound, maxval=bound)
    return {
        "loc_tokens": loc_tokens,
        "act_tokens": act_tokens,
        "features": features,
        "loc_table": loc_table,
        "act_table": act_table,
        "W": W,
        "b": b,
    }


def reference(loc_tokens, act_tokens, features, loc_table, act_table, W, b):
    # embedding lookups (gather)
    l_vec = jnp.take(loc_table, loc_tokens, axis=0)  # [B, L, LOC_DIM]
    a_vec = jnp.take(act_table, act_tokens, axis=0)  # [B, L, ACT_DIM]
    # feature projection: Linear(features) = features @ W^T + b
    feature_emb = jnp.einsum('blf,of->blo', features, W) + b  # [B, L, FEAT_EMB_DIM]
    emb = jnp.concatenate([l_vec, a_vec, feature_emb], axis=-1)  # [B, L, 128]
    # dropout is identity in eval mode
    return emb

if __name__ == "__main__":
    import jax
    _d = setup_inputs()
    print(jax.jit(kernel)(*tuple(_d.values())))

</pallas_src>

<mosaic_0001>
#map = affine_map<(d0, d1) -> (0, 0)>
module attributes {stable_mosaic.version = 14 : i64} {
  func.func @k(%arg0: i32, %arg1: i32, %arg2: memref<6400x128xi32, #tpu.memory_space<hbm>>, %arg3: memref<6400x128xi32, #tpu.memory_space<hbm>>, %arg4: memref<819200x32xf32, #tpu.memory_space<hbm>>, %arg5: memref<100004x64xf32, #tpu.memory_space<hbm>>, %arg6: memref<1004x32xf32, #tpu.memory_space<hbm>>, %arg7: memref<819200x128xf32, #tpu.memory_space<hbm>>, %arg8: memref<2x128xi32, #tpu.memory_space<vmem>>, %arg9: memref<2x128xi32, #tpu.memory_space<vmem>>, %arg10: memref<256x64xf32, #tpu.memory_space<vmem>>, %arg11: memref<256x32xf32, #tpu.memory_space<vmem>>, %arg12: memref<256x32xf32, #tpu.memory_space<vmem>>, %arg13: memref<!tpu.dma_semaphore, #tpu.memory_space<semaphore_mem>>, %arg14: memref<!tpu.dma_semaphore, #tpu.memory_space<semaphore_mem>>, %arg15: memref<!tpu.dma_semaphore, #tpu.memory_space<semaphore_mem>>, %arg16: memref<2x128xi32, #tpu.memory_space<vmem>>, %arg17: memref<2x128xi32, #tpu.memory_space<vmem>>, %arg18: memref<256x64xf32, #tpu.memory_space<vmem>>, %arg19: memref<256x32xf32, #tpu.memory_space<vmem>>, %arg20: memref<256x32xf32, #tpu.memory_space<vmem>>, %arg21: memref<!tpu.dma_semaphore, #tpu.memory_space<semaphore_mem>>, %arg22: memref<!tpu.dma_semaphore, #tpu.memory_space<semaphore_mem>>, %arg23: memref<!tpu.dma_semaphore, #tpu.memory_space<semaphore_mem>>) attributes {dimension_semantics = [#tpu.dimension_semantics<core_parallel>, #tpu.dimension_semantics<subcore_parallel>], iteration_bounds = array<i64: 2, 16>, scalar_prefetch = 0 : i64, scratch_operands = 16 : i64, tpu.core_type = #tpu.core_type<sc_vector_subcore>, window_params = [{transform_indices = #map}, {transform_indices = #map}, {transform_indices = #map}, {transform_indices = #map}, {transform_indices = #map}, {transform_indices = #map}]} {
    %mul3A = arith.constant 2 : i32
    %mul3A_0 = arith.muli %arg1, %mul3A : i32
    %add3A = arith.addi %mul3A_0, %arg0 : i32
    %mul3A_1 = arith.constant 200 : i32
    %mul3A_2 = arith.muli %add3A, %mul3A_1 : i32
    %mul3A_3 = arith.constant 25600 : i32
    %mul3A_4 = arith.muli %add3A, %mul3A_3 : i32
    %add3A_5 = arith.constant 0 : i32
    %add3A_6 = arith.addi %mul3A_2, %add3A_5 : i32
    %dma_start3A = arith.constant 0 : i32
    %dma_start3A_7 = tpu.memref_slice %arg2[%add3A_6, %dma_start3A] : memref<6400x128xi32, #tpu.memory_space<hbm>> -> memref<2x128xi32, #tpu.memory_space<hbm>>
    %dma_start3A_8 = arith.constant 0 : i32
    %dma_start3A_9 = tpu.memref_slice %arg2[%add3A_6, %dma_start3A_8] : memref<6400x128xi32, #tpu.memory_space<hbm>> -> memref<2x128xi32, #tpu.memory_space<hbm>>
    tpu.enqueue_dma source(%dma_start3A_9 : memref<2x128xi32, #tpu.memory_space<hbm>>) target(%arg8 : memref<2x128xi32, #tpu.memory_space<vmem>>) target_semaphore(%arg13 : memref<!tpu.dma_semaphore, #tpu.memory_space<semaphore_mem>>)
    %dma_start3A_10 = arith.constant 0 : i32
    %dma_start3A_11 = tpu.memref_slice %arg3[%add3A_6, %dma_start3A_10] : memref<6400x128xi32, #tpu.memory_space<hbm>> -> memref<2x128xi32, #tpu.memory_space<hbm>>
    %dma_start3A_12 = arith.constant 0 : i32
    %dma_start3A_13 = tpu.memref_slice %arg3[%add3A_6, %dma_start3A_12] : memref<6400x128xi32, #tpu.memory_space<hbm>> -> memref<2x128xi32, #tpu.memory_space<hbm>>
    tpu.enqueue_dma source(%dma_start3A_13 : memref<2x128xi32, #tpu.memory_space<hbm>>) target(%arg9 : memref<2x128xi32, #tpu.memory_space<vmem>>) target_semaphore(%arg13 : memref<!tpu.dma_semaphore, #tpu.memory_space<semaphore_mem>>)
    %add3A_14 = arith.constant 0 : i32
    %add3A_15 = arith.addi %mul3A_2, %add3A_14 : i32
    %dma_wait3A = arith.constant 0 : i32
    %dma_wait3A_16 = tpu.memref_slice %arg2[%add3A_15, %dma_wait3A] : memref<6400x128xi32, #tpu.memory_space<hbm>> -> memref<2x128xi32, #tpu.memory_space<hbm>>
    %dma_wait3A_17 = arith.constant 0 : i32
    %dma_wait3A_18 = tpu.memref_slice %arg2[%add3A_15, %dma_wait3A_17] : memref<6400x128xi32, #tpu.memory_space<hbm>> -> memref<2x128xi32, #tpu.memory_space<hbm>>
    tpu.wait_dma2 semaphore(%arg13 : memref<!tpu.dma_semaphore, #tpu.memory_space<semaphore_mem>>) src(%dma_wait3A_18 : memref<2x128xi32, #tpu.memory_space<hbm>>) dst(%arg8 : memref<2x128xi32, #tpu.memory_space<vmem>>)
    %dma_wait3A_19 = arith.constant 0 : i32
    %dma_wait3A_20 = tpu.memref_slice %arg3[%add3A_15, %dma_wait3A_19] : memref<6400x128xi32, #tpu.memory_space<hbm>> -> memref<2x128xi32, #tpu.memory_space<hbm>>
    %dma_wait3A_21 = arith.constant 0 : i32
    %dma_wait3A_22 = tpu.memref_slice %arg3[%add3A_15, %dma_wait3A_21] : memref<6400x128xi32, #tpu.memory_space<hbm>> -> memref<2x128xi32, #tpu.memory_space<hbm>>
    tpu.wait_dma2 semaphore(%arg13 : memref<!tpu.dma_semaphore, #tpu.memory_space<semaphore_mem>>) src(%dma_wait3A_22 : memref<2x128xi32, #tpu.memory_space<hbm>>) dst(%arg9 : memref<2x128xi32, #tpu.memory_space<vmem>>)
    %add3A_23 = arith.constant 0 : i32
    %add3A_24 = arith.addi %mul3A_4, %add3A_23 : i32
    %dma_start3A_25 = arith.constant 0 : i32
    %dma_start3A_26 = arith.constant 0 : i32
    %dma_start3A_27 = arith.constant 0 : i32
    %dma_start3A_28 = tpu.memref_slice %arg10[%dma_start3A_26, %dma_start3A_27] : memref<256x64xf32, #tpu.memory_space<vmem>> -> memref<128x64xf32, #tpu.memory_space<vmem>>
    %dma_start3A_29 = arith.constant 0 : i32
    %dma_start3A_30 = tpu.memref_slice %arg8[%dma_start3A_25, %dma_start3A_29] : memref<2x128xi32, #tpu.memory_space<vmem>> -> memref<1x128xi32, #tpu.memory_space<vmem>>
    %dma_start3A_31 = tpu.memref_squeeze %dma_start3A_30 : memref<1x128xi32, #tpu.memory_space<vmem>> -> memref<128xi32, #tpu.memory_space<vmem>>
    %dma_start3A_32 = arith.constant 0 : i32
    %dma_start3A_33 = arith.constant 0 : i32
    %dma_start3A_34 = tpu.memref_slice %arg5[%dma_start3A_32, %dma_start3A_33] : memref<100004x64xf32, #tpu.memory_space<hbm>> -> memref<100004x64xf32, #tpu.memory_space<hbm>>
    tpu.enqueue_indirect_dma source(%dma_start3A_34 : memref<100004x64xf32, #tpu.memory_space<hbm>>) target(%dma_start3A_28 : memref<128x64xf32, #tpu.memory_space<vmem>>) offsets(%dma_start3A_31 : memref<128xi32, #tpu.memory_space<vmem>>) semaphore(%arg14 : memref<!tpu.dma_semaphore, #tpu.memory_space<semaphore_mem>>)
    %dma_start3A_35 = arith.constant 0 : i32
    %dma_start3A_36 = arith.constant 0 : i32
    %dma_start3A_37 = arith.constant 0 : i32
    %dma_start3A_38 = tpu.memref_slice %arg11[%dma_start3A_36, %dma_start3A_37] : memref<256x32xf32, #tpu.memory_space<vmem>> -> memref<128x32xf32, #tpu.memory_space<vmem>>
    %dma_start3A_39 = arith.constant 0 : i32
    %dma_start3A_40 = tpu.memref_slice %arg9[%dma_start3A_35, %dma_start3A_39] : memref<2x128xi32, #tpu.memory_space<vmem>> -> memref<1x128xi32, #tpu.memory_space<vmem>>
    %dma_start3A_41 = tpu.memref_squeeze %dma_start3A_40 : memref<1x128xi32, #tpu.memory_space<vmem>> -> memref<128xi32, #tpu.memory_space<vmem>>
    %dma_start3A_42 = arith.constant 0 : i32
    %dma_start3A_43 = arith.constant 0 : i32
    %dma_start3A_44 = tpu.memref_slice %arg6[%dma_start3A_42, %dma_start3A_43] : memref<1004x32xf32, #tpu.memory_space<hbm>> -> memref<1004x32xf32, #tpu.memory_space<hbm>>
    tpu.enqueue_indirect_dma source(%dma_start3A_44 : memref<1004x32xf32, #tpu.memory_space<hbm>>) target(%dma_start3A_38 : memref<128x32xf32, #tpu.memory_space<vmem>>) offsets(%dma_start3A_41 : memref<128xi32, #tpu.memory_space<vmem>>) semaphore(%arg14 : memref<!tpu.dma_semaphore, #tpu.memory_space<semaphore_mem>>)
    %dma_start3A_45 = arith.constant 1 : i32
    %dma_start3A_46 = arith.constant 128 : i32
    %dma_start3A_47 = arith.constant 0 : i32
    %dma_start3A_48 = tpu.memref_slice %arg10[%dma_start3A_46, %dma_start3A_47] : memref<256x64xf32, #tpu.memory_space<vmem>> -> memref<128x64xf32, #tpu.memory_space<vmem>>
    %dma_start3A_49 = arith.constant 0 : i32
    %dma_start3A_50 = tpu.memref_slice %arg8[%dma_start3A_45, %dma_start3A_49] : memref<2x128xi32, #tpu.memory_space<vmem>> -> memref<1x128xi32, #tpu.memory_space<vmem>>
    %dma_start3A_51 = tpu.memref_squeeze %dma_start3A_50 : memref<1x128xi32, #tpu.memory_space<vmem>> -> memref<128xi32, #tpu.memory_space<vmem>>
    %dma_start3A_52 = arith.constant 0 : i32
    %dma_start3A_53 = arith.constant 0 : i32
    %dma_start3A_54 = tpu.memref_slice %arg5[%dma_start3A_52, %dma_start3A_53] : memref<100004x64xf32, #tpu.memory_space<hbm>> -> memref<100004x64xf32, #tpu.memory_space<hbm>>
    tpu.enqueue_indirect_dma source(%dma_start3A_54 : memref<100004x64xf32, #tpu.memory_space<hbm>>) target(%dma_start3A_48 : memref<128x64xf32, #tpu.memory_space<vmem>>) offsets(%dma_start3A_51 : memref<128xi32, #tpu.memory_space<vmem>>) semaphore(%arg14 : memref<!tpu.dma_semaphore, #tpu.memory_space<semaphore_mem>>)
    %dma_start3A_55 = arith.constant 1 : i32
    %dma_start3A_56 = arith.constant 128 : i32
    %dma_start3A_57 = arith.constant 0 : i32
    %dma_start3A_58 = tpu.memref_slice %arg11[%dma_start3A_56, %dma_start3A_57] : memref<256x32xf32, #tpu.memory_space<vmem>> -> memref<128x32xf32, #tpu.memory_space<vmem>>
    %dma_start3A_59 = arith.constant 0 : i32
    %dma_start3A_60 = tpu.memref_slice %arg9[%dma_start3A_55, %dma_start3A_59] : memref<2x128xi32, #tpu.memory_space<vmem>> -> memref<1x128xi32, #tpu.memory_space<vmem>>
    %dma_start3A_61 = tpu.memref_squeeze %dma_start3A_60 : memref<1x128xi32, #tpu.memory_space<vmem>> -> memref<128xi32, #tpu.memory_space<vmem>>
    %dma_start3A_62 = arith.constant 0 : i32
    %dma_start3A_63 = arith.constant 0 : i32
    %dma_start3A_64 = tpu.memref_slice %arg6[%dma_start3A_62, %dma_start3A_63] : memref<1004x32xf32, #tpu.memory_space<hbm>> -> memref<1004x32xf32, #tpu.memory_space<hbm>>
    tpu.enqueue_indirect_dma source(%dma_start3A_64 : memref<1004x32xf32, #tpu.memory_space<hbm>>) target(%dma_start3A_58 : memref<128x32xf32, #tpu.memory_space<vmem>>) offsets(%dma_start3A_61 : memref<128xi32, #tpu.memory_space<vmem>>) semaphore(%arg14 : memref<!tpu.dma_semaphore, #tpu.memory_space<semaphore_mem>>)
    %dma_start3A_65 = arith.constant 0 : i32
    %dma_start3A_66 = tpu.memref_slice %arg4[%add3A_24, %dma_start3A_65] : memref<819200x32xf32, #tpu.memory_space<hbm>> -> memref<256x32xf32, #tpu.memory_space<hbm>>
    %dma_start3A_67 = arith.constant 0 : i32
    %dma_start3A_68 = tpu.memref_slice %arg4[%add3A_24, %dma_start3A_67] : memref<819200x32xf32, #tpu.memory_space<hbm>> -> memref<256x32xf32, #tpu.memory_space<hbm>>
    tpu.enqueue_dma source(%dma_start3A_68 : memref<256x32xf32, #tpu.memory_space<hbm>>) target(%arg12 : memref<256x32xf32, #tpu.memory_space<vmem>>) target_semaphore(%arg14 : memref<!tpu.dma_semaphore, #tpu.memory_space<semaphore_mem>>)
    %add3A_69 = arith.constant 2 : i32
    %add3A_70 = arith.addi %mul3A_2, %add3A_69 : i32
    %dma_start3A_71 = arith.constant 0 : i32
    %dma_start3A_72 = tpu.memref_slice %arg2[%add3A_70, %dma_start3A_71] : memref<6400x128xi32, #tpu.memory_space<hbm>> -> memref<2x128xi32, #tpu.memory_space<hbm>>
    %dma_start3A_73 = arith.constant 0 : i32
    %dma_start3A_74 = tpu.memref_slice %arg2[%add3A_70, %dma_start3A_73] : memref<6400x128xi32, #tpu.memory_space<hbm>> -> memref<2x128xi32, #tpu.memory_space<hbm>>
    tpu.enqueue_dma source(%dma_start3A_74 : memref<2x128xi32, #tpu.memory_space<hbm>>) target(%arg16 : memref<2x128xi32, #tpu.memory_space<vmem>>) target_semaphore(%arg21 : memref<!tpu.dma_semaphore, #tpu.memory_space<semaphore_mem>>)
    %dma_start3A_75 = arith.constant 0 : i32
    %dma_start3A_76 = tpu.memref_slice %arg3[%add3A_70, %dma_start3A_75] : memref<6400x128xi32, #tpu.memory_space<hbm>> -> memref<2x128xi32, #tpu.memory_space<hbm>>
    %dma_start3A_77 = arith.constant 0 : i32
    %dma_start3A_78 = tpu.memref_slice %arg3[%add3A_70, %dma_start3A_77] : memref<6400x128xi32, #tpu.memory_space<hbm>> -> memref<2x128xi32, #tpu.memory_space<hbm>>
    tpu.enqueue_dma source(%dma_start3A_78 : memref<2x128xi32, #tpu.memory_space<hbm>>) target(%arg17 : memref<2x128xi32, #tpu.memory_space<vmem>>) target_semaphore(%arg21 : memref<!tpu.dma_semaphore, #tpu.memory_space<semaphore_mem>>)
    %scan3A = arith.constant 0 : i32
    %scan3A_79 = arith.constant 0 : i32
    %scan3A_80 = arith.constant 50 : i32
    %scan3A_81 = arith.addi %scan3A_79, %scan3A_80 : i32
    %scan3A_82 = arith.constant 1 : i32
    scf.for %scan3A_98 = %scan3A_79 to %scan3A_81 step %scan3A_82  : i32 {
      %mul3A_99 = arith.constant 2 : i32
      %mul3A_100 = arith.muli %mul3A_99, %scan3A_98 : i32
      %add3A_101 = arith.constant 1 : i32
      %add3A_102 = arith.addi %mul3A_100, %add3A_101 : i32
      %gt3A = arith.constant 0 : i32
      %gt3A_103 = arith.cmpi sgt, %scan3A_98, %gt3A : i32
      %convert_element_type3A = arith.extui %gt3A_103 : i1 to i32
      %cond3A = arith.constant 0 : i32
      %cond3A_104 = arith.cmpi ne, %convert_element_type3A, %cond3A : i32
      scf.if %cond3A_104 {
        %mul3A_305 = arith.constant 256 : i32
        %mul3A_306 = arith.muli %add3A_102, %mul3A_305 : i32
        %add3A_307 = arith.addi %mul3A_4, %mul3A_306 : i32
        %dma_wait3A_308 = arith.constant 0 : i32
        %dma_wait3A_309 = tpu.memref_slice %arg7[%add3A_307, %dma_wait3A_308] : memref<819200x128xf32, #tpu.memory_space<hbm>> -> memref<256x64xf32, #tpu.memory_space<hbm>>
        %dma_wait3A_310 = arith.constant 0 : i32
        %dma_wait3A_311 = tpu.memref_slice %arg7[%add3A_307, %dma_wait3A_310] : memref<819200x128xf32, #tpu.memory_space<hbm>> -> memref<256x64xf32, #tpu.memory_space<hbm>>
        tpu.wait_dma2 semaphore(%arg23 : memref<!tpu.dma_semaphore, #tpu.memory_space<semaphore_mem>>) src(%arg18 : memref<256x64xf32, #tpu.memory_space<vmem>>) dst(%dma_wait3A_311 : memref<256x64xf32, #tpu.memory_space<hbm>>)
        %dma_wait3A_312 = arith.constant 64 : i32
        %dma_wait3A_313 = tpu.memref_slice %arg7[%add3A_307, %dma_wait3A_312] : memref<819200x128xf32, #tpu.memory_space<hbm>> -> memref<256x32xf32, #tpu.memory_space<hbm>>
        %dma_wait3A_314 = arith.constant 64 : i32
        %dma_wait3A_315 = tpu.memref_slice %arg7[%add3A_307, %dma_wait3A_314] : memref<819200x128xf32, #tpu.memory_space<hbm>> -> memref<256x32xf32, #tpu.memory_space<hbm>>
        tpu.wait_dma2 semaphore(%arg23 : memref<!tpu.dma_semaphore, #tpu.memory_space<semaphore_mem>>) src(%arg19 : memref<256x32xf32, #tpu.memory_space<vmem>>) dst(%dma_wait3A_315 : memref<256x32xf32, #tpu.memory_space<hbm>>)
        %dma_wait3A_316 = arith.constant 96 : i32
        %dma_wait3A_317 = tpu.memref_slice %arg7[%add3A_307, %dma_wait3A_316] : memref<819200x128xf32, #tpu.memory_space<hbm>> -> memref<256x32xf32, #tpu.memory_space<hbm>>
        %dma_wait3A_318 = arith.constant 96 : i32
        %dma_wait3A_319 = tpu.memref_slice %arg7[%add3A_307, %dma_wait3A_318] : memref<819200x128xf32, #tpu.memory_space<hbm>> -> memref<256x32xf32, #tpu.memory_space<hbm>>
        tpu.wait_dma2 semaphore(%arg23 : memref<!tpu.dma_semaphore, #tpu.memory_space<semaphore_mem>>) src(%arg20 : memref<256x32xf32, #tpu.memory_space<vmem>>) dst(%dma_wait3A_319 : memref<256x32xf32, #tpu.memory_space<hbm>>)
      } else {
      }
      %mul3A_105 = arith.constant 2 : i32
      %mul3A_106 = arith.muli %add3A_102, %mul3A_105 : i32
      %add3A_107 = arith.addi %mul3A_2, %mul3A_106 : i32
      %dma_wait3A_108 = arith.constant 0 : i32
      %dma_wait3A_109 = tpu.memref_slice %arg2[%add3A_107, %dma_wait3A_108] : memref<6400x128xi32, #tpu.memory_space<hbm>> -> memref<2x128xi32, #tpu.memory_space<hbm>>
      %dma_wait3A_110 = arith.constant 0 : i32
      %dma_wait3A_111 = tpu.memref_slice %arg2[%add3A_107, %dma_wait3A_110] : memref<6400x128xi32, #tpu.memory_space<hbm>> -> memref<2x128xi32, #tpu.memory_space<hbm>>
      tpu.wait_dma2 semaphore(%arg21 : memref<!tpu.dma_semaphore, #tpu.memory_space<semaphore_mem>>) src(%dma_wait3A_111 : memref<2x128xi32, #tpu.memory_space<hbm>>) dst(%arg16 : memref<2x128xi32, #tpu.memory_space<vmem>>)
      %dma_wait3A_112 = arith.constant 0 : i32
      %dma_wait3A_113 = tpu.memref_slice %arg3[%add3A_107, %dma_wait3A_112] : memref<6400x128xi32, #tpu.memory_space<hbm>> -> memref<2x128xi32, #tpu.memory_space<hbm>>
      %dma_wait3A_114 = arith.constant 0 : i32
      %dma_wait3A_115 = tpu.memref_slice %arg3[%add3A_107, %dma_wait3A_114] : memref<6400x128xi32, #tpu.memory_space<hbm>> -> memref<2x128xi32, #tpu.memory_space<hbm>>
      tpu.wait_dma2 semaphore(%arg21 : memref<!tpu.dma_semaphore, #tpu.memory_space<semaphore_mem>>) src(%dma_wait3A_115 : memref<2x128xi32, #tpu.memory_space<hbm>>) dst(%arg17 : memref<2x128xi32, #tpu.memory_space<vmem>>)
      %mul3A_116 = arith.constant 256 : i32
      %mul3A_117 = arith.muli %add3A_102, %mul3A_116 : i32
      %add3A_118 = arith.addi %mul3A_4, %mul3A_117 : i32
      %dma_start3A_119 = arith.constant 0 : i32
      %dma_start3A_120 = arith.constant 0 : i32
      %dma_start3A_121 = arith.constant 0 : i32
      %dma_start3A_122 = tpu.memref_slice %arg18[%dma_start3A_120, %dma_start3A_121] : memref<256x64xf32, #tpu.memory_space<vmem>> -> memref<128x64xf32, #tpu.memory_space<vmem>>
      %dma_start3A_123 = arith.constant 0 : i32
      %dma_start3A_124 = tpu.memref_slice %arg16[%dma_start3A_119, %dma_start3A_123] : memref<2x128xi32, #tpu.memory_space<vmem>> -> memref<1x128xi32, #tpu.memory_space<vmem>>
      %dma_start3A_125 = tpu.memref_squeeze %dma_start3A_124 : memref<1x128xi32, #tpu.memory_space<vmem>> -> memref<128xi32, #tpu.memory_space<vmem>>
      %dma_start3A_126 = arith.constant 0 : i32
      %dma_start3A_127 = arith.constant 0 : i32
      %dma_start3A_128 = tpu.memref_slice %arg5[%dma_start3A_126, %dma_start3A_127] : memref<100004x64xf32, #tpu.memory_space<hbm>> -> memref<100004x64xf32, #tpu.memory_space<hbm>>
      tpu.enqueue_indirect_dma source(%dma_start3A_128 : memref<100004x64xf32, #tpu.memory_space<hbm>>) target(%dma_start3A_122 : memref<128x64xf32, #tpu.memory_space<vmem>>) offsets(%dma_start3A_125 : memref<128xi32, #tpu.memory_space<vmem>>) semaphore(%arg22 : memref<!tpu.dma_semaphore, #tpu.memory_space<semaphore_mem>>)
      %dma_start3A_129 = arith.constant 0 : i32
      %dma_start3A_130 = arith.constant 0 : i32
      %dma_start3A_131 = arith.constant 0 : i32
      %dma_start3A_132 = tpu.memref_slice %arg19[%dma_start3A_130, %dma_start3A_131] : memref<256x32xf32, #tpu.memory_space<vmem>> -> memref<128x32xf32, #tpu.memory_space<vmem>>
      %dma_start3A_133 = arith.constant 0 : i32
      %dma_start3A_134 = tpu.memref_slice %arg17[%dma_start3A_129, %dma_start3A_133] : memref<2x128xi32, #tpu.memory_space<vmem>> -> memref<1x128xi32, #tpu.memory_space<vmem>>
      %dma_start3A_135 = tpu.memref_squeeze %dma_start3A_134 : memref<1x128xi32, #tpu.memory_space<vmem>> -> memref<128xi32, #tpu.memory_space<vmem>>
      %dma_start3A_136 = arith.constant 0 : i32
      %dma_start3A_137 = arith.constant 0 : i32
      %dma_start3A_138 = tpu.memref_slice %arg6[%dma_start3A_136, %dma_start3A_137] : memref<1004x32xf32, #tpu.memory_space<hbm>> -> memref<1004x32xf32, #tpu.memory_space<hbm>>
      tpu.enqueue_indirect_dma source(%dma_start3A_138 : memref<1004x32xf32, #tpu.memory_space<hbm>>) target(%dma_start3A_132 : memref<128x32xf32, #tpu.memory_space<vmem>>) offsets(%dma_start3A_135 : memref<128xi32, #tpu.memory_space<vmem>>) semaphore(%arg22 : memref<!tpu.dma_semaphore, #tpu.memory_space<semaphore_mem>>)
      %dma_start3A_139 = arith.constant 1 : i32
      %dma_start3A_140 = arith.constant 128 : i32
      %dma_start3A_141 = arith.constant 0 : i32
      %dma_start3A_142 = tpu.memref_slice %arg18[%dma_start3A_140, %dma_start3A_141] : memref<256x64xf32, #tpu.memory_space<vmem>> -> memref<128x64xf32, #tpu.memory_space<vmem>>
      %dma_start3A_143 = arith.constant 0 : i32
      %dma_start3A_144 = tpu.memref_slice %arg16[%dma_start3A_139, %dma_start3A_143] : memref<2x128xi32, #tpu.memory_space<vmem>> -> memref<1x128xi32, #tpu.memory_space<vmem>>
      %dma_start3A_145 = tpu.memref_squeeze %dma_start3A_144 : memref<1x128xi32, #tpu.memory_space<vmem>> -> memref<128xi32, #tpu.memory_space<vmem>>
      %dma_start3A_146 = arith.constant 0 : i32
      %dma_start3A_147 = arith.constant 0 : i32
      %dma_start3A_148 = tpu.memref_slice %arg5[%dma_start3A_146, %dma_start3A_147] : memref<100004x64xf32, #tpu.memory_space<hbm>> -> memref<100004x64xf32, #tpu.memory_space<hbm>>
      tpu.enqueue_indirect_dma source(%dma_start3A_148 : memref<100004x64xf32, #tpu.memory_space<hbm>>) target(%dma_start3A_142 : memref<128x64xf32, #tpu.memory_space<vmem>>) offsets(%dma_start3A_145 : memref<128xi32, #tpu.memory_space<vmem>>) semaphore(%arg22 : memref<!tpu.dma_semaphore, #tpu.memory_space<semaphore_mem>>)
      %dma_start3A_149 = arith.constant 1 : i32
      %dma_start3A_150 = arith.constant 128 : i32
      %dma_start3A_151 = arith.constant 0 : i32
      %dma_start3A_152 = tpu.memref_slice %arg19[%dma_start3A_150, %dma_start3A_151] : memref<256x32xf32, #tpu.memory_space<vmem>> -> memref<128x32xf32, #tpu.memory_space<vmem>>
      %dma_start3A_153 = arith.constant 0 : i32
      %dma_start3A_154 = tpu.memref_slice %arg17[%dma_start3A_149, %dma_start3A_153] : memref<2x128xi32, #tpu.memory_space<vmem>> -> memref<1x128xi32, #tpu.memory_space<vmem>>
      %dma_start3A_155 = tpu.memref_squeeze %dma_start3A_154 : memref<1x128xi32, #tpu.memory_space<vmem>> -> memref<128xi32, #tpu.memory_space<vmem>>
      %dma_start3A_156 = arith.constant 0 : i32
      %dma_start3A_157 = arith.constant 0 : i32
      %dma_start3A_158 = tpu.memref_slice %arg6[%dma_start3A_156, %dma_start3A_157] : memref<1004x32xf32, #tpu.memory_space<hbm>> -> memref<1004x32xf32, #tpu.memory_space<hbm>>
      tpu.enqueue_indirect_dma source(%dma_start3A_158 : memref<1004x32xf32, #tpu.memory_space<hbm>>) target(%dma_start3A_152 : memref<128x32xf32, #tpu.memory_space<vmem>>) offsets(%dma_start3A_155 : memref<128xi32, #tpu.memory_space<vmem>>) semaphore(%arg22 : memref<!tpu.dma_semaphore, #tpu.memory_space<semaphore_mem>>)
      %dma_start3A_159 = arith.constant 0 : i32
      %dma_start3A_160 = tpu.memref_slice %arg4[%add3A_118, %dma_start3A_159] : memref<819200x32xf32, #tpu.memory_space<hbm>> -> memref<256x32xf32, #tpu.memory_space<hbm>>
      %dma_start3A_161 = arith.constant 0 : i32
      %dma_start3A_162 = tpu.memref_slice %arg4[%add3A_118, %dma_start3A_161] : memref<819200x32xf32, #tpu.memory_space<hbm>> -> memref<256x32xf32, #tpu.memory_space<hbm>>
      tpu.enqueue_dma source(%dma_start3A_162 : memref<256x32xf32, #tpu.memory_space<hbm>>) target(%arg20 : memref<256x32xf32, #tpu.memory_space<vmem>>) target_semaphore(%arg22 : memref<!tpu.dma_semaphore, #tpu.memory_space<semaphore_mem>>)
      %mul3A_163 = arith.constant 256 : i32
      %mul3A_164 = arith.muli %mul3A_100, %mul3A_163 : i32
      %add3A_165 = arith.addi %mul3A_4, %mul3A_164 : i32
      %dma_wait3A_166 = arith.constant 0 : i32
      %dma_wait3A_167 = arith.constant 0 : i32
      %dma_wait3A_168 = arith.constant 0 : i32
      %dma_wait3A_169 = tpu.memref_slice %arg10[%dma_wait3A_167, %dma_wait3A_168] : memref<256x64xf32, #tpu.memory_space<vmem>> -> memref<128x64xf32, #tpu.memory_space<vmem>>
      %dma_wait3A_170 = arith.constant 0 : i32
      %dma_wait3A_171 = tpu.memref_slice %arg8[%dma_wait3A_166, %dma_wait3A_170] : memref<2x128xi32, #tpu.memory_space<vmem>> -> memref<1x128xi32, #tpu.memory_space<vmem>>
      %dma_wait3A_172 = tpu.memref_squeeze %dma_wait3A_171 : memref<1x128xi32, #tpu.memory_space<vmem>> -> memref<128xi32, #tpu.memory_space<vmem>>
      %dma_wait3A_173 = arith.constant 0 : i32
      %dma_wait3A_174 = arith.constant 0 : i32
      %dma_wait3A_175 = tpu.memref_slice %arg5[%dma_wait3A_173, %dma_wait3A_174] : memref<100004x64xf32, #tpu.memory_space<hbm>> -> memref<100004x64xf32, #tpu.memory_space<hbm>>
      tpu.wait_indirect_dma semaphore(%arg14 : memref<!tpu.dma_semaphore, #tpu.memory_space<semaphore_mem>>) src(%dma_wait3A_175 : memref<100004x64xf32, #tpu.memory_space<hbm>>) dst(%dma_wait3A_169 : memref<128x64xf32, #tpu.memory_space<vmem>>)
      %dma_wait3A_176 = arith.constant 0 : i32
      %dma_wait3A_177 = arith.constant 0 : i32
      %dma_wait3A_178 = arith.constant 0 : i32
      %dma_wait3A_179 = tpu.memref_slice %arg11[%dma_wait3A_177, %dma_wait3A_178] : memref<256x32xf32, #tpu.memory_space<vmem>> -> memref<128x32xf32, #tpu.memory_space<vmem>>
      %dma_wait3A_180 = arith.constant 0 : i32
      %dma_wait3A_181 = tpu.memref_slice %arg9[%dma_wait3A_176, %dma_wait3A_180] : memref<2x128xi32, #tpu.memory_space<vmem>> -> memref<1x128xi32, #tpu.memory_space<vmem>>
      %dma_wait3A_182 = tpu.memref_squeeze %dma_wait3A_181 : memref<1x128xi32, #tpu.memory_space<vmem>> -> memref<128xi32, #tpu.memory_space<vmem>>
      %dma_wait3A_183 = arith.constant 0 : i32
      %dma_wait3A_184 = arith.constant 0 : i32
      %dma_wait3A_185 = tpu.memref_slice %arg6[%dma_wait3A_183, %dma_wait3A_184] : memref<1004x32xf32, #tpu.memory_space<hbm>> -> memref<1004x32xf32, #tpu.memory_space<hbm>>
      tpu.wait_indirect_dma semaphore(%arg14 : memref<!tpu.dma_semaphore, #tpu.memory_space<semaphore_mem>>) src(%dma_wait3A_185 : memref<1004x32xf32, #tpu.memory_space<hbm>>) dst(%dma_wait3A_179 : memref<128x32xf32, #tpu.memory_space<vmem>>)
      %dma_wait3A_186 = arith.constant 1 : i32
      %dma_wait3A_187 = arith.constant 128 : i32
      %dma_wait3A_188 = arith.constant 0 : i32
      %dma_wait3A_189 = tpu.memref_slice %arg10[%dma_wait3A_187, %dma_wait3A_188] : memref<256x64xf32, #tpu.memory_space<vmem>> -> memref<128x64xf32, #tpu.memory_space<vmem>>
      %dma_wait3A_190 = arith.constant 0 : i32
      %dma_wait3A_191 = tpu.memref_slice %arg8[%dma_wait3A_186, %dma_wait3A_190] : memref<2x128xi32, #tpu.memory_space<vmem>> -> memref<1x128xi32, #tpu.memory_space<vmem>>
      %dma_wait3A_192 = tpu.memref_squeeze %dma_wait3A_191 : memref<1x128xi32, #tpu.memory_space<vmem>> -> memref<128xi32, #tpu.memory_space<vmem>>
      %dma_wait3A_193 = arith.constant 0 : i32
      %dma_wait3A_194 = arith.constant 0 : i32
      %dma_wait3A_195 = tpu.memref_slice %arg5[%dma_wait3A_193, %dma_wait3A_194] : memref<100004x64xf32, #tpu.memory_space<hbm>> -> memref<100004x64xf32, #tpu.memory_space<hbm>>
      tpu.wait_indirect_dma semaphore(%arg14 : memref<!tpu.dma_semaphore, #tpu.memory_space<semaphore_mem>>) src(%dma_wait3A_195 : memref<100004x64xf32, #tpu.memory_space<hbm>>) dst(%dma_wait3A_189 : memref<128x64xf32, #tpu.memory_space<vmem>>)
      %dma_wait3A_196 = arith.constant 1 : i32
      %dma_wait3A_197 = arith.constant 128 : i32
      %dma_wait3A_198 = arith.constant 0 : i32
      %dma_wait3A_199 = tpu.memref_slice %arg11[%dma_wait3A_197, %dma_wait3A_198] : memref<256x32xf32, #tpu.memory_space<vmem>> -> memref<128x32xf32, #tpu.memory_space<vmem>>
      %dma_wait3A_200 = arith.constant 0 : i32
      %dma_wait3A_201 = tpu.memref_slice %arg9[%dma_wait3A_196, %dma_wait3A_200] : memref<2x128xi32, #tpu.memory_space<vmem>> -> memref<1x128xi32, #tpu.memory_space<vmem>>
      %dma_wait3A_202 = tpu.memref_squeeze %dma_wait3A_201 : memref<1x128xi32, #tpu.memory_space<vmem>> -> memref<128xi32, #tpu.memory_space<vmem>>
      %dma_wait3A_203 = arith.constant 0 : i32
      %dma_wait3A_204 = arith.constant 0 : i32
      %dma_wait3A_205 = tpu.memref_slice %arg6[%dma_wait3A_203, %dma_wait3A_204] : memref<1004x32xf32, #tpu.memory_space<hbm>> -> memref<1004x32xf32, #tpu.memory_space<hbm>>
      tpu.wait_indirect_dma semaphore(%arg14 : memref<!tpu.dma_semaphore, #tpu.memory_space<semaphore_mem>>) src(%dma_wait3A_205 : memref<1004x32xf32, #tpu.memory_space<hbm>>) dst(%dma_wait3A_199 : memref<128x32xf32, #tpu.memory_space<vmem>>)
      %dma_wait3A_206 = arith.constant 0 : i32
      %dma_wait3A_207 = tpu.memref_slice %arg4[%add3A_165, %dma_wait3A_206] : memref<819200x32xf32, #tpu.memory_space<hbm>> -> memref<256x32xf32, #tpu.memory_space<hbm>>
      %dma_wait3A_208 = arith.constant 0 : i32
      %dma_wait3A_209 = tpu.memref_slice %arg4[%add3A_165, %dma_wait3A_208] : memref<819200x32xf32, #tpu.memory_space<hbm>> -> memref<256x32xf32, #tpu.memory_space<hbm>>
      tpu.wait_dma2 semaphore(%arg14 : memref<!tpu.dma_semaphore, #tpu.memory_space<semaphore_mem>>) src(%dma_wait3A_209 : memref<256x32xf32, #tpu.memory_space<hbm>>) dst(%arg12 : memref<256x32xf32, #tpu.memory_space<vmem>>)
      %lt3A = arith.constant 49 : i32
      %lt3A_210 = arith.cmpi slt, %scan3A_98, %lt3A : i32
      %convert_element_type3A_211 = arith.extui %lt3A_210 : i1 to i32
      %cond3A_212 = arith.constant 0 : i32
      %cond3A_213 = arith.cmpi ne, %convert_element_type3A_211, %cond3A_212 : i32
      scf.if %cond3A_213 {
        %add3A_305 = arith.constant 2 : i32
        %add3A_306 = arith.addi %mul3A_100, %add3A_305 : i32
        %mul3A_307 = arith.constant 2 : i32
        %mul3A_308 = arith.muli %add3A_306, %mul3A_307 : i32
        %add3A_309 = arith.addi %mul3A_2, %mul3A_308 : i32
        %dma_start3A_310 = arith.constant 0 : i32
        %dma_start3A_311 = tpu.memref_slice %arg2[%add3A_309, %dma_start3A_310] : memref<6400x128xi32, #tpu.memory_space<hbm>> -> memref<2x128xi32, #tpu.memory_space<hbm>>
        %dma_start3A_312 = arith.constant 0 : i32
        %dma_start3A_313 = tpu.memref_slice %arg2[%add3A_309, %dma_start3A_312] : memref<6400x128xi32, #tpu.memory_space<hbm>> -> memref<2x128xi32, #tpu.memory_space<hbm>>
        tpu.enqueue_dma source(%dma_start3A_313 : memref<2x128xi32, #tpu.memory_space<hbm>>) target(%arg8 : memref<2x128xi32, #tpu.memory_space<vmem>>) target_semaphore(%arg13 : memref<!tpu.dma_semaphore, #tpu.memory_space<semaphore_mem>>)
        %dma_start3A_314 = arith.constant 0 : i32
        %dma_start3A_315 = tpu.memref_slice %arg3[%add3A_309, %dma_start3A_314] : memref<6400x128xi32, #tpu.memory_space<hbm>> -> memref<2x128xi32, #tpu.memory_space<hbm>>
        %dma_start3A_316 = arith.constant 0 : i32
        %dma_start3A_317 = tpu.memref_slice %arg3[%add3A_309, %dma_start3A_316] : memref<6400x128xi32, #tpu.memory_space<hbm>> -> memref<2x128xi32, #tpu.memory_space<hbm>>
        tpu.enqueue_dma source(%dma_start3A_317 : memref<2x128xi32, #tpu.memory_space<hbm>>) target(%arg9 : memref<2x128xi32, #tpu.memory_space<vmem>>) target_semaphore(%arg13 : memref<!tpu.dma_semaphore, #tpu.memory_space<semaphore_mem>>)
      } else {
      }
      %mul3A_214 = arith.constant 256 : i32
      %mul3A_215 = arith.muli %mul3A_100, %mul3A_214 : i32
      %add3A_216 = arith.addi %mul3A_4, %mul3A_215 : i32
      %dma_start3A_217 = arith.constant 0 : i32
      %dma_start3A_218 = tpu.memref_slice %arg7[%add3A_216, %dma_start3A_217] : memref<819200x128xf32, #tpu.memory_space<hbm>> -> memref<256x64xf32, #tpu.memory_space<hbm>>
      %dma_start3A_219 = arith.constant 0 : i32
      %dma_start3A_220 = tpu.memref_slice %arg7[%add3A_216, %dma_start3A_219] : memref<819200x128xf32, #tpu.memory_space<hbm>> -> memref<256x64xf32, #tpu.memory_space<hbm>>
      tpu.enqueue_dma source(%arg10 : memref<256x64xf32, #tpu.memory_space<vmem>>) target(%dma_start3A_220 : memref<256x64xf32, #tpu.memory_space<hbm>>) target_semaphore(%arg15 : memref<!tpu.dma_semaphore, #tpu.memory_space<semaphore_mem>>)
      %dma_start3A_221 = arith.constant 64 : i32
      %dma_start3A_222 = tpu.memref_slice %arg7[%add3A_216, %dma_start3A_221] : memref<819200x128xf32, #tpu.memory_space<hbm>> -> memref<256x32xf32, #tpu.memory_space<hbm>>
      %dma_start3A_223 = arith.constant 64 : i32
      %dma_start3A_224 = tpu.memref_slice %arg7[%add3A_216, %dma_start3A_223] : memref<819200x128xf32, #tpu.memory_space<hbm>> -> memref<256x32xf32, #tpu.memory_space<hbm>>
      tpu.enqueue_dma source(%arg11 : memref<256x32xf32, #tpu.memory_space<vmem>>) target(%dma_start3A_224 : memref<256x32xf32, #tpu.memory_space<hbm>>) target_semaphore(%arg15 : memref<!tpu.dma_semaphore, #tpu.memory_space<semaphore_mem>>)
      %dma_start3A_225 = arith.constant 96 : i32
      %dma_start3A_226 = tpu.memref_slice %arg7[%add3A_216, %dma_start3A_225] : memref<819200x128xf32, #tpu.memory_space<hbm>> -> memref<256x32xf32, #tpu.memory_space<hbm>>
      %dma_start3A_227 = arith.constant 96 : i32
      %dma_start3A_228 = tpu.memref_slice %arg7[%add3A_216, %dma_start3A_227] : memref<819200x128xf32, #tpu.memory_space<hbm>> -> memref<256x32xf32, #tpu.memory_space<hbm>>
      tpu.enqueue_dma source(%arg12 : memref<256x32xf32, #tpu.memory_space<vmem>>) target(%dma_start3A_228 : memref<256x32xf32, #tpu.memory_space<hbm>>) target_semaphore(%arg15 : memref<!tpu.dma_semaphore, #tpu.memory_space<semaphore_mem>>)
      %mul3A_229 = arith.constant 256 : i32
      %mul3A_230 = arith.muli %add3A_102, %mul3A_229 : i32
      %add3A_231 = arith.addi %mul3A_4, %mul3A_230 : i32
      %dma_wait3A_232 = arith.constant 0 : i32
      %dma_wait3A_233 = arith.constant 0 : i32
      %dma_wait3A_234 = arith.constant 0 : i32
      %dma_wait3A_235 = tpu.memref_slice %arg18[%dma_wait3A_233, %dma_wait3A_234] : memref<256x64xf32, #tpu.memory_space<vmem>> -> memref<128x64xf32, #tpu.memory_space<vmem>>
      %dma_wait3A_236 = arith.constant 0 : i32
      %dma_wait3A_237 = tpu.memref_slice %arg16[%dma_wait3A_232, %dma_wait3A_236] : memref<2x128xi32, #tpu.memory_space<vmem>> -> memref<1x128xi32, #tpu.memory_space<vmem>>
      %dma_wait3A_238 = tpu.memref_squeeze %dma_wait3A_237 : memref<1x128xi32, #tpu.memory_space<vmem>> -> memref<128xi32, #tpu.memory_space<vmem>>
      %dma_wait3A_239 = arith.constant 0 : i32
      %dma_wait3A_240 = arith.constant 0 : i32
      %dma_wait3A_241 = tpu.memref_slice %arg5[%dma_wait3A_239, %dma_wait3A_240] : memref<100004x64xf32, #tpu.memory_space<hbm>> -> memref<100004x64xf32, #tpu.memory_space<hbm>>
      tpu.wait_indirect_dma semaphore(%arg22 : memref<!tpu.dma_semaphore, #tpu.memory_space<semaphore_mem>>) src(%dma_wait3A_241 : memref<100004x64xf32, #tpu.memory_space<hbm>>) dst(%dma_wait3A_235 : memref<128x64xf32, #tpu.memory_space<vmem>>)
      %dma_wait3A_242 = arith.constant 0 : i32
      %dma_wait3A_243 = arith.constant 0 : i32
      %dma_wait3A_244 = arith.constant 0 : i32
      %dma_wait3A_245 = tpu.memref_slice %arg19[%dma_wait3A_243, %dma_wait3A_244] : memref<256x32xf32, #tpu.memory_space<vmem>> -> memref<128x32xf32, #tpu.memory_space<vmem>>
      %dma_wait3A_246 = arith.constant 0 : i32
      %dma_wait3A_247 = tpu.memref_slice %arg17[%dma_wait3A_242, %dma_wait3A_246] : memref<2x128xi32, #tpu.memory_space<vmem>> -> memref<1x128xi32, #tpu.memory_space<vmem>>
      %dma_wait3A_248 = tpu.memref_squeeze %dma_wait3A_247 : memref<1x128xi32, #tpu.memory_space<vmem>> -> memref<128xi32, #tpu.memory_space<vmem>>
      %dma_wait3A_249 = arith.constant 0 : i32
      %dma_wait3A_250 = arith.constant 0 : i32
      %dma_wait3A_251 = tpu.memref_slice %arg6[%dma_wait3A_249, %dma_wait3A_250] : memref<1004x32xf32, #tpu.memory_space<hbm>> -> memref<1004x32xf32, #tpu.memory_space<hbm>>
      tpu.wait_indirect_dma semaphore(%arg22 : memref<!tpu.dma_semaphore, #tpu.memory_space<semaphore_mem>>) src(%dma_wait3A_251 : memref<1004x32xf32, #tpu.memory_space<hbm>>) dst(%dma_wait3A_245 : memref<128x32xf32, #tpu.memory_space<vmem>>)
      %dma_wait3A_252 = arith.constant 1 : i32
      %dma_wait3A_253 = arith.constant 128 : i32
      %dma_wait3A_254 = arith.constant 0 : i32
      %dma_wait3A_255 = tpu.memref_slice %arg18[%dma_wait3A_253, %dma_wait3A_254] : memref<256x64xf32, #tpu.memory_space<vmem>> -> memref<128x64xf32, #tpu.memory_space<vmem>>
      %dma_wait3A_256 = arith.constant 0 : i32
      %dma_wait3A_257 = tpu.memref_slice %arg16[%dma_wait3A_252, %dma_wait3A_256] : memref<2x128xi32, #tpu.memory_space<vmem>> -> memref<1x128xi32, #tpu.memory_space<vmem>>
      %dma_wait3A_258 = tpu.memref_squeeze %dma_wait3A_257 : memref<1x128xi32, #tpu.memory_space<vmem>> -> memref<128xi32, #tpu.memory_space<vmem>>
      %dma_wait3A_259 = arith.constant 0 : i32
      %dma_wait3A_260 = arith.constant 0 : i32
      %dma_wait3A_261 = tpu.memref_slice %arg5[%dma_wait3A_259, %dma_wait3A_260] : memref<100004x64xf32, #tpu.memory_space<hbm>> -> memref<100004x64xf32, #tpu.memory_space<hbm>>
      tpu.wait_indirect_dma semaphore(%arg22 : memref<!tpu.dma_semaphore, #tpu.memory_space<semaphore_mem>>) src(%dma_wait3A_261 : memref<100004x64xf32, #tpu.memory_space<hbm>>) dst(%dma_wait3A_255 : memref<128x64xf32, #tpu.memory_space<vmem>>)
      %dma_wait3A_262 = arith.constant 1 : i32
      %dma_wait3A_263 = arith.constant 128 : i32
      %dma_wait3A_264 = arith.constant 0 : i32
      %dma_wait3A_265 = tpu.memref_slice %arg19[%dma_wait3A_263, %dma_wait3A_264] : memref<256x32xf32, #tpu.memory_space<vmem>> -> memref<128x32xf32, #tpu.memory_space<vmem>>
      %dma_wait3A_266 = arith.constant 0 : i32
      %dma_wait3A_267 = tpu.memref_slice %arg17[%dma_wait3A_262, %dma_wait3A_266] : memref<2x128xi32, #tpu.memory_space<vmem>> -> memref<1x128xi32, #tpu.memory_space<vmem>>
      %dma_wait3A_268 = tpu.memref_squeeze %dma_wait3A_267 : memref<1x128xi32, #tpu.memory_space<vmem>> -> memref<128xi32, #tpu.memory_space<vmem>>
      %dma_wait3A_269 = arith.constant 0 : i32
      %dma_wait3A_270 = arith.constant 0 : i32
      %dma_wait3A_271 = tpu.memref_slice %arg6[%dma_wait3A_269, %dma_wait3A_270] : memref<1004x32xf32, #tpu.memory_space<hbm>> -> memref<1004x32xf32, #tpu.memory_space<hbm>>
      tpu.wait_indirect_dma semaphore(%arg22 : memref<!tpu.dma_semaphore, #tpu.memory_space<semaphore_mem>>) src(%dma_wait3A_271 : memref<1004x32xf32, #tpu.memory_space<hbm>>) dst(%dma_wait3A_265 : memref<128x32xf32, #tpu.memory_space<vmem>>)
      %dma_wait3A_272 = arith.constant 0 : i32
      %dma_wait3A_273 = tpu.memref_slice %arg4[%add3A_231, %dma_wait3A_272] : memref<819200x32xf32, #tpu.memory_space<hbm>> -> memref<256x32xf32, #tpu.memory_space<hbm>>
      %dma_wait3A_274 = arith.constant 0 : i32
      %dma_wait3A_275 = tpu.memref_slice %arg4[%add3A_231, %dma_wait3A_274] : memref<819200x32xf32, #tpu.memory_space<hbm>> -> memref<256x32xf32, #tpu.memory_space<hbm>>
      tpu.wait_dma2 semaphore(%arg22 : memref<!tpu.dma_semaphore, #tpu.memory_space<semaphore_mem>>) src(%dma_wait3A_275 : memref<256x32xf32, #tpu.memory_space<hbm>>) dst(%arg20 : memref<256x32xf32, #tpu.memory_space<vmem>>)
      %lt3A_276 = arith.constant 49 : i32
      %lt3A_277 = arith.cmpi slt, %scan3A_98, %lt3A_276 : i32
      %convert_element_type3A_278 = arith.extui %lt3A_277 : i1 to i32
      %cond3A_279 = arith.constant 0 : i32
      %cond3A_280 = arith.cmpi ne, %convert_element_type3A_278, %cond3A_279 : i32
      scf.if %cond3A_280 {
        %add3A_305 = arith.constant 2 : i32
        %add3A_306 = arith.addi %add3A_102, %add3A_305 : i32
        %mul3A_307 = arith.constant 2 : i32
        %mul3A_308 = arith.muli %add3A_306, %mul3A_307 : i32
        %add3A_309 = arith.addi %mul3A_2, %mul3A_308 : i32
        %dma_start3A_310 = arith.constant 0 : i32
        %dma_start3A_311 = tpu.memref_slice %arg2[%add3A_309, %dma_start3A_310] : memref<6400x128xi32, #tpu.memory_space<hbm>> -> memref<2x128xi32, #tpu.memory_space<hbm>>
        %dma_start3A_312 = arith.constant 0 : i32
        %dma_start3A_313 = tpu.memref_slice %arg2[%add3A_309, %dma_start3A_312] : memref<6400x128xi32, #tpu.memory_space<hbm>> -> memref<2x128xi32, #tpu.memory_space<hbm>>
        tpu.enqueue_dma source(%dma_start3A_313 : memref<2x128xi32, #tpu.memory_space<hbm>>) target(%arg16 : memref<2x128xi32, #tpu.memory_space<vmem>>) target_semaphore(%arg21 : memref<!tpu.dma_semaphore, #tpu.memory_space<semaphore_mem>>)
        %dma_start3A_314 = arith.constant 0 : i32
        %dma_start3A_315 = tpu.memref_slice %arg3[%add3A_309, %dma_start3A_314] : memref<6400x128xi32, #tpu.memory_space<hbm>> -> memref<2x128xi32, #tpu.memory_space<hbm>>
        %dma_start3A_316 = arith.constant 0 : i32
        %dma_start3A_317 = tpu.memref_slice %arg3[%add3A_309, %dma_start3A_316] : memref<6400x128xi32, #tpu.memory_space<hbm>> -> memref<2x128xi32, #tpu.memory_space<hbm>>
        tpu.enqueue_dma source(%dma_start3A_317 : memref<2x128xi32, #tpu.memory_space<hbm>>) target(%arg17 : memref<2x128xi32, #tpu.memory_space<vmem>>) target_semaphore(%arg21 : memref<!tpu.dma_semaphore, #tpu.memory_space<semaphore_mem>>)
      } else {
      }
      %mul3A_281 = arith.constant 256 : i32
      %mul3A_282 = arith.muli %add3A_102, %mul3A_281 : i32
      %add3A_283 = arith.addi %mul3A_4, %mul3A_282 : i32
      %dma_start3A_284 = arith.constant 0 : i32
      %dma_start3A_285 = tpu.memref_slice %arg7[%add3A_283, %dma_start3A_284] : memref<819200x128xf32, #tpu.memory_space<hbm>> -> memref<256x64xf32, #tpu.memory_space<hbm>>
      %dma_start3A_286 = arith.constant 0 : i32
      %dma_start3A_287 = tpu.memref_slice %arg7[%add3A_283, %dma_start3A_286] : memref<819200x128xf32, #tpu.memory_space<hbm>> -> memref<256x64xf32, #tpu.memory_space<hbm>>
      tpu.enqueue_dma source(%arg18 : memref<256x64xf32, #tpu.memory_space<vmem>>) target(%dma_start3A_287 : memref<256x64xf32, #tpu.memory_space<hbm>>) target_semaphore(%arg23 : memref<!tpu.dma_semaphore, #tpu.memory_space<semaphore_mem>>)
      %dma_start3A_288 = arith.constant 64 : i32
      %dma_start3A_289 = tpu.memref_slice %arg7[%add3A_283, %dma_start3A_288] : memref<819200x128xf32, #tpu.memory_space<hbm>> -> memref<256x32xf32, #tpu.memory_space<hbm>>
      %dma_start3A_290 = arith.constant 64 : i32
      %dma_start3A_291 = tpu.memref_slice %arg7[%add3A_283, %dma_start3A_290] : memref<819200x128xf32, #tpu.memory_space<hbm>> -> memref<256x32xf32, #tpu.memory_space<hbm>>
      tpu.enqueue_dma source(%arg19 : memref<256x32xf32, #tpu.memory_space<vmem>>) target(%dma_start3A_291 : memref<256x32xf32, #tpu.memory_space<hbm>>) target_semaphore(%arg23 : memref<!tpu.dma_semaphore, #tpu.memory_space<semaphore_mem>>)
      %dma_start3A_292 = arith.constant 96 : i32
      %dma_start3A_293 = tpu.memref_slice %arg7[%add3A_283, %dma_start3A_292] : memref<819200x128xf32, #tpu.memory_space<hbm>> -> memref<256x32xf32, #tpu.memory_space<hbm>>
      %dma_start3A_294 = arith.constant 96 : i32
      %dma_start3A_295 = tpu.memref_slice %arg7[%add3A_283, %dma_start3A_294] : memref<819200x128xf32, #tpu.memory_space<hbm>> -> memref<256x32xf32, #tpu.memory_space<hbm>>
      tpu.enqueue_dma source(%arg20 : memref<256x32xf32, #tpu.memory_space<vmem>>) target(%dma_start3A_295 : memref<256x32xf32, #tpu.memory_space<hbm>>) target_semaphore(%arg23 : memref<!tpu.dma_semaphore, #tpu.memory_space<semaphore_mem>>)
      %lt3A_296 = arith.constant 49 : i32
      %lt3A_297 = arith.cmpi slt, %scan3A_98, %lt3A_296 : i32
      %convert_element_type3A_298 = arith.extui %lt3A_297 : i1 to i32
      %cond3A_299 = arith.constant 0 : i32
      %cond3A_300 = arith.cmpi ne, %convert_element_type3A_298, %cond3A_299 : i32
      scf.if %cond3A_300 {
        %mul3A_305 = arith.constant 256 : i32
        %mul3A_306 = arith.muli %mul3A_100, %mul3A_305 : i32
        %add3A_307 = arith.addi %mul3A_4, %mul3A_306 : i32
        %dma_wait3A_308 = arith.constant 0 : i32
        %dma_wait3A_309 = tpu.memref_slice %arg7[%add3A_307, %dma_wait3A_308] : memref<819200x128xf32, #tpu.memory_space<hbm>> -> memref<256x64xf32, #tpu.memory_space<hbm>>
        %dma_wait3A_310 = arith.constant 0 : i32
        %dma_wait3A_311 = tpu.memref_slice %arg7[%add3A_307, %dma_wait3A_310] : memref<819200x128xf32, #tpu.memory_space<hbm>> -> memref<256x64xf32, #tpu.memory_space<hbm>>
        tpu.wait_dma2 semaphore(%arg15 : memref<!tpu.dma_semaphore, #tpu.memory_space<semaphore_mem>>) src(%arg10 : memref<256x64xf32, #tpu.memory_space<vmem>>) dst(%dma_wait3A_311 : memref<256x64xf32, #tpu.memory_space<hbm>>)
        %dma_wait3A_312 = arith.constant 64 : i32
        %dma_wait3A_313 = tpu.memref_slice %arg7[%add3A_307, %dma_wait3A_312] : memref<819200x128xf32, #tpu.memory_space<hbm>> -> memref<256x32xf32, #tpu.memory_space<hbm>>
        %dma_wait3A_314 = arith.constant 64 : i32
        %dma_wait3A_315 = tpu.memref_slice %arg7[%add3A_307, %dma_wait3A_314] : memref<819200x128xf32, #tpu.memory_space<hbm>> -> memref<256x32xf32, #tpu.memory_space<hbm>>
        tpu.wait_dma2 semaphore(%arg15 : memref<!tpu.dma_semaphore, #tpu.memory_space<semaphore_mem>>) src(%arg11 : memref<256x32xf32, #tpu.memory_space<vmem>>) dst(%dma_wait3A_315 : memref<256x32xf32, #tpu.memory_space<hbm>>)
        %dma_wait3A_316 = arith.constant 96 : i32
        %dma_wait3A_317 = tpu.memref_slice %arg7[%add3A_307, %dma_wait3A_316] : memref<819200x128xf32, #tpu.memory_space<hbm>> -> memref<256x32xf32, #tpu.memory_space<hbm>>
        %dma_wait3A_318 = arith.constant 96 : i32
        %dma_wait3A_319 = tpu.memref_slice %arg7[%add3A_307, %dma_wait3A_318] : memref<819200x128xf32, #tpu.memory_space<hbm>> -> memref<256x32xf32, #tpu.memory_space<hbm>>
        tpu.wait_dma2 semaphore(%arg15 : memref<!tpu.dma_semaphore, #tpu.memory_space<semaphore_mem>>) src(%arg12 : memref<256x32xf32, #tpu.memory_space<vmem>>) dst(%dma_wait3A_319 : memref<256x32xf32, #tpu.memory_space<hbm>>)
        %add3A_320 = arith.constant 2 : i32
        %add3A_321 = arith.addi %mul3A_100, %add3A_320 : i32
        %mul3A_322 = arith.constant 2 : i32
        %mul3A_323 = arith.muli %add3A_321, %mul3A_322 : i32
        %add3A_324 = arith.addi %mul3A_2, %mul3A_323 : i32
        %dma_wait3A_325 = arith.constant 0 : i32
        %dma_wait3A_326 = tpu.memref_slice %arg2[%add3A_324, %dma_wait3A_325] : memref<6400x128xi32, #tpu.memory_space<hbm>> -> memref<2x128xi32, #tpu.memory_space<hbm>>
        %dma_wait3A_327 = arith.constant 0 : i32
        %dma_wait3A_328 = tpu.memref_slice %arg2[%add3A_324, %dma_wait3A_327] : memref<6400x128xi32, #tpu.memory_space<hbm>> -> memref<2x128xi32, #tpu.memory_space<hbm>>
        tpu.wait_dma2 semaphore(%arg13 : memref<!tpu.dma_semaphore, #tpu.memory_space<semaphore_mem>>) src(%dma_wait3A_328 : memref<2x128xi32, #tpu.memory_space<hbm>>) dst(%arg8 : memref<2x128xi32, #tpu.memory_space<vmem>>)
        %dma_wait3A_329 = arith.constant 0 : i32
        %dma_wait3A_330 = tpu.memref_slice %arg3[%add3A_324, %dma_wait3A_329] : memref<6400x128xi32, #tpu.memory_space<hbm>> -> memref<2x128xi32, #tpu.memory_space<hbm>>
        %dma_wait3A_331 = arith.constant 0 : i32
        %dma_wait3A_332 = tpu.memref_slice %arg3[%add3A_324, %dma_wait3A_331] : memref<6400x128xi32, #tpu.memory_space<hbm>> -> memref<2x128xi32, #tpu.memory_space<hbm>>
        tpu.wait_dma2 semaphore(%arg13 : memref<!tpu.dma_semaphore, #tpu.memory_space<semaphore_mem>>) src(%dma_wait3A_332 : memref<2x128xi32, #tpu.memory_space<hbm>>) dst(%arg9 : memref<2x128xi32, #tpu.memory_space<vmem>>)
        %add3A_333 = arith.constant 2 : i32
        %add3A_334 = arith.addi %mul3A_100, %add3A_333 : i32
        %mul3A_335 = arith.constant 256 : i32
        %mul3A_336 = arith.muli %add3A_334, %mul3A_335 : i32
        %add3A_337 = arith.addi %mul3A_4, %mul3A_336 : i32
        %dma_start3A_338 = arith.constant 0 : i32
        %dma_start3A_339 = arith.constant 0 : i32
        %dma_start3A_340 = arith.constant 0 : i32
        %dma_start3A_341 = tpu.memref_slice %arg10[%dma_start3A_339, %dma_start3A_340] : memref<256x64xf32, #tpu.memory_space<vmem>> -> memref<128x64xf32, #tpu.memory_space<vmem>>
        %dma_start3A_342 = arith.constant 0 : i32
        %dma_start3A_343 = tpu.memref_slice %arg8[%dma_start3A_338, %dma_start3A_342] : memref<2x128xi32, #tpu.memory_space<vmem>> -> memref<1x128xi32, #tpu.memory_space<vmem>>
        %dma_start3A_344 = tpu.memref_squeeze %dma_start3A_343 : memref<1x128xi32, #tpu.memory_space<vmem>> -> memref<128xi32, #tpu.memory_space<vmem>>
        %dma_start3A_345 = arith.constant 0 : i32
        %dma_start3A_346 = arith.constant 0 : i32
        %dma_start3A_347 = tpu.memref_slice %arg5[%dma_start3A_345, %dma_start3A_346] : memref<100004x64xf32, #tpu.memory_space<hbm>> -> memref<100004x64xf32, #tpu.memory_space<hbm>>
        tpu.enqueue_indirect_dma source(%dma_start3A_347 : memref<100004x64xf32, #tpu.memory_space<hbm>>) target(%dma_start3A_341 : memref<128x64xf32, #tpu.memory_space<vmem>>) offsets(%dma_start3A_344 : memref<128xi32, #tpu.memory_space<vmem>>) semaphore(%arg14 : memref<!tpu.dma_semaphore, #tpu.memory_space<semaphore_mem>>)
        %dma_start3A_348 = arith.constant 0 : i32
        %dma_start3A_349 = arith.constant 0 : i32
        %dma_start3A_350 = arith.constant 0 : i32
        %dma_start3A_351 = tpu.memref_slice %arg11[%dma_start3A_349, %dma_start3A_350] : memref<256x32xf32, #tpu.memory_space<vmem>> -> memref<128x32xf32, #tpu.memory_space<vmem>>
        %dma_start3A_352 = arith.constant 0 : i32
        %dma_start3A_353 = tpu.memref_slice %arg9[%dma_start3A_348, %dma_start3A_352] : memref<2x128xi32, #tpu.memory_space<vmem>> -> memref<1x128xi32, #tpu.memory_space<vmem>>
        %dma_start3A_354 = tpu.memref_squeeze %dma_start3A_353 : memref<1x128xi32, #tpu.memory_space<vmem>> -> memref<128xi32, #tpu.memory_space<vmem>>
        %dma_start3A_355 = arith.constant 0 : i32
        %dma_start3A_356 = arith.constant 0 : i32
        %dma_start3A_357 = tpu.memref_slice %arg6[%dma_start3A_355, %dma_start3A_356] : memref<1004x32xf32, #tpu.memory_space<hbm>> -> memref<1004x32xf32, #tpu.memory_space<hbm>>
        tpu.enqueue_indirect_dma source(%dma_start3A_357 : memref<1004x32xf32, #tpu.memory_space<hbm>>) target(%dma_start3A_351 : memref<128x32xf32, #tpu.memory_space<vmem>>) offsets(%dma_start3A_354 : memref<128xi32, #tpu.memory_space<vmem>>) semaphore(%arg14 : memref<!tpu.dma_semaphore, #tpu.memory_space<semaphore_mem>>)
        %dma_start3A_358 = arith.constant 1 : i32
        %dma_start3A_359 = arith.constant 128 : i32
        %dma_start3A_360 = arith.constant 0 : i32
        %dma_start3A_361 = tpu.memref_slice %arg10[%dma_start3A_359, %dma_start3A_360] : memref<256x64xf32, #tpu.memory_space<vmem>> -> memref<128x64xf32, #tpu.memory_space<vmem>>
        %dma_start3A_362 = arith.constant 0 : i32
        %dma_start3A_363 = tpu.memref_slice %arg8[%dma_start3A_358, %dma_start3A_362] : memref<2x128xi32, #tpu.memory_space<vmem>> -> memref<1x128xi32, #tpu.memory_space<vmem>>
        %dma_start3A_364 = tpu.memref_squeeze %dma_start3A_363 : memref<1x128xi32, #tpu.memory_space<vmem>> -> memref<128xi32, #tpu.memory_space<vmem>>
        %dma_start3A_365 = arith.constant 0 : i32
        %dma_start3A_366 = arith.constant 0 : i32
        %dma_start3A_367 = tpu.memref_slice %arg5[%dma_start3A_365, %dma_start3A_366] : memref<100004x64xf32, #tpu.memory_space<hbm>> -> memref<100004x64xf32, #tpu.memory_space<hbm>>
        tpu.enqueue_indirect_dma source(%dma_start3A_367 : memref<100004x64xf32, #tpu.memory_space<hbm>>) target(%dma_start3A_361 : memref<128x64xf32, #tpu.memory_space<vmem>>) offsets(%dma_start3A_364 : memref<128xi32, #tpu.memory_space<vmem>>) semaphore(%arg14 : memref<!tpu.dma_semaphore, #tpu.memory_space<semaphore_mem>>)
        %dma_start3A_368 = arith.constant 1 : i32
        %dma_start3A_369 = arith.constant 128 : i32
        %dma_start3A_370 = arith.constant 0 : i32
        %dma_start3A_371 = tpu.memref_slice %arg11[%dma_start3A_369, %dma_start3A_370] : memref<256x32xf32, #tpu.memory_space<vmem>> -> memref<128x32xf32, #tpu.memory_space<vmem>>
        %dma_start3A_372 = arith.constant 0 : i32
        %dma_start3A_373 = tpu.memref_slice %arg9[%dma_start3A_368, %dma_start3A_372] : memref<2x128xi32, #tpu.memory_space<vmem>> -> memref<1x128xi32, #tpu.memory_space<vmem>>
        %dma_start3A_374 = tpu.memref_squeeze %dma_start3A_373 : memref<1x128xi32, #tpu.memory_space<vmem>> -> memref<128xi32, #tpu.memory_space<vmem>>
        %dma_start3A_375 = arith.constant 0 : i32
        %dma_start3A_376 = arith.constant 0 : i32
        %dma_start3A_377 = tpu.memref_slice %arg6[%dma_start3A_375, %dma_start3A_376] : memref<1004x32xf32, #tpu.memory_space<hbm>> -> memref<1004x32xf32, #tpu.memory_space<hbm>>
        tpu.enqueue_indirect_dma source(%dma_start3A_377 : memref<1004x32xf32, #tpu.memory_space<hbm>>) target(%dma_start3A_371 : memref<128x32xf32, #tpu.memory_space<vmem>>) offsets(%dma_start3A_374 : memref<128xi32, #tpu.memory_space<vmem>>) semaphore(%arg14 : memref<!tpu.dma_semaphore, #tpu.memory_space<semaphore_mem>>)
        %dma_start3A_378 = arith.constant 0 : i32
        %dma_start3A_379 = tpu.memref_slice %arg4[%add3A_337, %dma_start3A_378] : memref<819200x32xf32, #tpu.memory_space<hbm>> -> memref<256x32xf32, #tpu.memory_space<hbm>>
        %dma_start3A_380 = arith.constant 0 : i32
        %dma_start3A_381 = tpu.memref_slice %arg4[%add3A_337, %dma_start3A_380] : memref<819200x32xf32, #tpu.memory_space<hbm>> -> memref<256x32xf32, #tpu.memory_space<hbm>>
        tpu.enqueue_dma source(%dma_start3A_381 : memref<256x32xf32, #tpu.memory_space<hbm>>) target(%arg12 : memref<256x32xf32, #tpu.memory_space<vmem>>) target_semaphore(%arg14 : memref<!tpu.dma_semaphore, #tpu.memory_space<semaphore_mem>>)
      } else {
      }
      %eq3A = arith.constant 49 : i32
      %eq3A_301 = arith.cmpi eq, %scan3A_98, %eq3A : i32
      %convert_element_type3A_302 = arith.extui %eq3A_301 : i1 to i32
      %cond3A_303 = arith.constant 0 : i32
      %cond3A_304 = arith.cmpi ne, %convert_element_type3A_302, %cond3A_303 : i32
      scf.if %cond3A_304 {
        %mul3A_305 = arith.constant 256 : i32
        %mul3A_306 = arith.muli %mul3A_100, %mul3A_305 : i32
        %add3A_307 = arith.addi %mul3A_4, %mul3A_306 : i32
        %dma_wait3A_308 = arith.constant 0 : i32
        %dma_wait3A_309 = tpu.memref_slice %arg7[%add3A_307, %dma_wait3A_308] : memref<819200x128xf32, #tpu.memory_space<hbm>> -> memref<256x64xf32, #tpu.memory_space<hbm>>
        %dma_wait3A_310 = arith.constant 0 : i32
        %dma_wait3A_311 = tpu.memref_slice %arg7[%add3A_307, %dma_wait3A_310] : memref<819200x128xf32, #tpu.memory_space<hbm>> -> memref<256x64xf32, #tpu.memory_space<hbm>>
        tpu.wait_dma2 semaphore(%arg15 : memref<!tpu.dma_semaphore, #tpu.memory_space<semaphore_mem>>) src(%arg10 : memref<256x64xf32, #tpu.memory_space<vmem>>) dst(%dma_wait3A_311 : memref<256x64xf32, #tpu.memory_space<hbm>>)
        %dma_wait3A_312 = arith.constant 64 : i32
        %dma_wait3A_313 = tpu.memref_slice %arg7[%add3A_307, %dma_wait3A_312] : memref<819200x128xf32, #tpu.memory_space<hbm>> -> memref<256x32xf32, #tpu.memory_space<hbm>>
        %dma_wait3A_314 = arith.constant 64 : i32
        %dma_wait3A_315 = tpu.memref_slice %arg7[%add3A_307, %dma_wait3A_314] : memref<819200x128xf32, #tpu.memory_space<hbm>> -> memref<256x32xf32, #tpu.memory_space<hbm>>
        tpu.wait_dma2 semaphore(%arg15 : memref<!tpu.dma_semaphore, #tpu.memory_space<semaphore_mem>>) src(%arg11 : memref<256x32xf32, #tpu.memory_space<vmem>>) dst(%dma_wait3A_315 : memref<256x32xf32, #tpu.memory_space<hbm>>)
        %dma_wait3A_316 = arith.constant 96 : i32
        %dma_wait3A_317 = tpu.memref_slice %arg7[%add3A_307, %dma_wait3A_316] : memref<819200x128xf32, #tpu.memory_space<hbm>> -> memref<256x32xf32, #tpu.memory_space<hbm>>
        %dma_wait3A_318 = arith.constant 96 : i32
        %dma_wait3A_319 = tpu.memref_slice %arg7[%add3A_307, %dma_wait3A_318] : memref<819200x128xf32, #tpu.memory_space<hbm>> -> memref<256x32xf32, #tpu.memory_space<hbm>>
        tpu.wait_dma2 semaphore(%arg15 : memref<!tpu.dma_semaphore, #tpu.memory_space<semaphore_mem>>) src(%arg12 : memref<256x32xf32, #tpu.memory_space<vmem>>) dst(%dma_wait3A_319 : memref<256x32xf32, #tpu.memory_space<hbm>>)
      } else {
      }
    }
    %scan3A_83 = arith.constant 50 : i32
    %add3A_84 = arith.constant 256 : i32
    %add3A_85 = arith.addi %mul3A_4, %add3A_84 : i32
    %dma_wait3A_86 = arith.constant 0 : i32
    %dma_wait3A_87 = tpu.memref_slice %arg7[%add3A_85, %dma_wait3A_86] : memref<819200x128xf32, #tpu.memory_space<hbm>> -> memref<256x64xf32, #tpu.memory_space<hbm>>
    %dma_wait3A_88 = arith.constant 0 : i32
    %dma_wait3A_89 = tpu.memref_slice %arg7[%add3A_85, %dma_wait3A_88] : memref<819200x128xf32, #tpu.memory_space<hbm>> -> memref<256x64xf32, #tpu.memory_space<hbm>>
    tpu.wait_dma2 semaphore(%arg23 : memref<!tpu.dma_semaphore, #tpu.memory_space<semaphore_mem>>) src(%arg18 : memref<256x64xf32, #tpu.memory_space<vmem>>) dst(%dma_wait3A_89 : memref<256x64xf32, #tpu.memory_space<hbm>>)
    %dma_wait3A_90 = arith.constant 64 : i32
    %dma_wait3A_91 = tpu.memref_slice %arg7[%add3A_85, %dma_wait3A_90] : memref<819200x128xf32, #tpu.memory_space<hbm>> -> memref<256x32xf32, #tpu.memory_space<hbm>>
    %dma_wait3A_92 = arith.constant 64 : i32
    %dma_wait3A_93 = tpu.memref_slice %arg7[%add3A_85, %dma_wait3A_92] : memref<819200x128xf32, #tpu.memory_space<hbm>> -> memref<256x32xf32, #tpu.memory_space<hbm>>
    tpu.wait_dma2 semaphore(%arg23 : memref<!tpu.dma_semaphore, #tpu.memory_space<semaphore_mem>>) src(%arg19 : memref<256x32xf32, #tpu.memory_space<vmem>>) dst(%dma_wait3A_93 : memref<256x32xf32, #tpu.memory_space<hbm>>)
    %dma_wait3A_94 = arith.constant 96 : i32
    %dma_wait3A_95 = tpu.memref_slice %arg7[%add3A_85, %dma_wait3A_94] : memref<819200x128xf32, #tpu.memory_space<hbm>> -> memref<256x32xf32, #tpu.memory_space<hbm>>
    %dma_wait3A_96 = arith.constant 96 : i32
    %dma_wait3A_97 = tpu.memref_slice %arg7[%add3A_85, %dma_wait3A_96] : memref<819200x128xf32, #tpu.memory_space<hbm>> -> memref<256x32xf32, #tpu.memory_space<hbm>>
    tpu.wait_dma2 semaphore(%arg23 : memref<!tpu.dma_semaphore, #tpu.memory_space<semaphore_mem>>) src(%arg20 : memref<256x32xf32, #tpu.memory_space<vmem>>) dst(%dma_wait3A_97 : memref<256x32xf32, #tpu.memory_space<hbm>>)
    return
  }
}

module attributes {stable_mosaic.version = 14 : i64} {
  func.func @body(%arg0: i32, %arg1: memref<4096x16xf32, #tpu.memory_space<vmem>>, %arg2: memref<16x32xf32, #tpu.memory_space<vmem>>, %arg3: memref<1x32xf32, #tpu.memory_space<vmem>>, %arg4: memref<4096x32xf32, #tpu.memory_space<vmem>>) attributes {dimension_semantics = [#tpu.dimension_semantics<arbitrary>], iteration_bounds = array<i64: 200>, scalar_prefetch = 0 : i64, scratch_operands = 0 : i64, tpu.core_type = #tpu.core_type<tc>, window_params = [{transform_indices = @transform_0, window_bounds = array<i64: 4096, 16>}, {pipeline_mode = #tpu.pipeline_mode<synchronous>, transform_indices = @transform_1, window_bounds = array<i64: 16, 32>}, {pipeline_mode = #tpu.pipeline_mode<synchronous>, transform_indices = @transform_2, window_bounds = array<i64: 1, 32>}, {transform_indices = @transform_3, window_bounds = array<i64: 4096, 32>}]} {
    %get3A = arith.constant 0 : index
    %get3A_0 = arith.constant 0 : index
    %get3A_1 = vector.load %arg1[%get3A, %get3A_0] : memref<4096x16xf32, #tpu.memory_space<vmem>>, vector<4096x16xf32>
    %get3A_2 = arith.constant 0 : index
    %get3A_3 = arith.constant 0 : index
    %get3A_4 = vector.load %arg2[%get3A_2, %get3A_3] : memref<16x32xf32, #tpu.memory_space<vmem>>, vector<16x32xf32>
    %dot_general3A = arith.constant dense<0.000000e+00> : vector<4096x32xf32>
    %dot_general3A_5 = tpu.matmul %get3A_1, %get3A_4, %dot_general3A {dimension_numbers = #tpu.dot_dimension_numbers<[1], [0], [0], [1], [0, 0, 1, 1], [], []>, transpose_lhs_hint = false} : vector<4096x16xf32>, vector<16x32xf32>, vector<4096x32xf32> -> vector<4096x32xf32>
    %get3A_6 = arith.constant 0 : index
    %get3A_7 = arith.constant 0 : index
    %get3A_8 = vector.load %arg3[%get3A_6, %get3A_7] : memref<1x32xf32, #tpu.memory_space<vmem>>, vector<1x32xf32>
    %add3A = vector.broadcast %get3A_8 : vector<1x32xf32> to vector<4096x32xf32>
    %add3A_9 = arith.addf %dot_general3A_5, %add3A : vector<4096x32xf32>
    %swap3A = arith.constant 0 : index
    %swap3A_10 = arith.constant 0 : index
    %swap3A_11 = vector.load %arg4[%swap3A, %swap3A_10] : memref<4096x32xf32, #tpu.memory_space<vmem>>, vector<4096x32xf32>
    tpu.vector_store %arg4[%swap3A, %swap3A_10], %add3A_9 {strides = array<i32>} : memref<4096x32xf32, #tpu.memory_space<vmem>>, vector<4096x32xf32>,
    return
  }
  func.func @transform_0(%arg0: i32) -> (i32, i32) {
    %c0_i32 = arith.constant 0 : i32
    %c0_i32_0 = arith.constant 0 : i32
    return %arg0, %c0_i32 : i32, i32
  }
  func.func @transform_1(%arg0: i32) -> (i32, i32) {
    %c0_i32 = arith.constant 0 : i32
    %c0_i32_0 = arith.constant 0 : i32
    %c0_i32_1 = arith.constant 0 : i32
    return %c0_i32, %c0_i32_0 : i32, i32
  }
  func.func @transform_2(%arg0: i32) -> (i32, i32) {
    %c0_i32 = arith.constant 0 : i32
    %c0_i32_0 = arith.constant 0 : i32
    %c0_i32_1 = arith.constant 0 : i32
    return %c0_i32, %c0_i32_0 : i32, i32
  }
  func.func @transform_3(%arg0: i32) -> (i32, i32) {
    %c0_i32 = arith.constant 0 : i32
    %c0_i32_0 = arith.constant 0 : i32
    return %arg0, %c0_i32 : i32, i32
  }
}

</mosaic_0001>

<sc_bundles>
// kernel: kernel.4.cloned.1.call-start
scs
__scs_entry_jumppad:
0x0: {  	(pc) =	sbr.rel $0x88, $3  }
0x1: {  	(tag) =	ssettag $0x0;
	lr =	simm.s32 $0x1  }
0x2: {  	[smem:$0x3F9A] =	sst lr;
	_ =	strace $0xD0000000  }
0x3: {  	_ = 	snop  }
0x4: {  	_ = 	snop  }
0x5: {  	_ = 	snop  }
0x6: {  	_ = 	snop  }
0x7: {  	_ = 	snop  }
__scs_overlays_trampoline_lowered:
0x8: {  	[smem:$0x3FA9] =	sst s0  }
0x9: {  	[smem:$0x3FAA] =	sst s1  }
0xa: {  	[smem:$0x3FAB] =	sst s2  }
0xb: {  	[smem:$0x3FAC] =	sst s3  }
0xc: {  	[smem:$0x3FAD] =	sst s4  }
0xd: {  	[smem:$0x3FAE] =	sst s5  }
0xe: {  	[smem:$0x3FAF] =	sst s6  }
0xf: {  	[smem:$0x3FB0] =	sst s7  }
0x10: {  	[smem:$0x3FB1] =	sst s8  }
0x11: {  	[smem:$0x3FB2] =	sst s9;
	s0 =	simm.s32 @!p0 $0x0  }
0x12: {  	s1 =	sld [smem:$0x3F98];
	s0 =	simm.s32 @p0 $0x1  }
0x13: {  	[smem:$0x3FB3] =	sst s0;
	s0 =	simm.s32 @!p1 $0x0  }
0x14: {  	s2 =	sld [smem:$0x3F97];
	s0 =	simm.s32 @p1 $0x1  }
0x15: {  	[smem:$0x3FB4] =	sst s0;
	s0 =	simm.s32 @!p2 $0x0  }
0x16: {  	s3 =	sld [smem:$0x3FDB];
	s0 =	simm.s32 @p2 $0x1  }
0x17: {  	s4 =	simm.s32 $0x1BF5;
	[smem:$0x3FB6] =	sst s0  }
0x18: {  	s0 =	sld [smem:$0x3F99];
	_ =	swait.ge [sflag:s4], $0x0  }
0x19: {  	s7 =	sld [smem:$0x3F9A]  }
0x1a: {  	s8 =	sadd.s32 $0xFFFFE003, lr  }
0x1b: {  	s9 =	sadd.s32 $0xFFFFFEF7, lr;
	s5 =	simm.s32 $0xFFFFFFFF;
	p2 =	slt.u32 s8, $0xFFFFF086  }
0x1c: {  	p1 =	slt.u32 s9, $0xF7A;
	s5 =	simm.s32 @!p2 $0x0  }
0x1d: {  	s5 =	simm.s32 @p1 $0x1;
	p0 =	seq.s32 s7, s2  }
0x1e: {  	s7 =	smul.u32 @!p0 $0xF7A, s2;
	p2 =	seq.s32 @!p0 s5, $0x0  }
0x1f: {  	s9 =	smul.u32 $0xF7A, s1;
	s8 =	simm.s32 @!p0 $0x1BF5;
	p2 =	por !p2, p0  }
0x20: {  	[sflag:s8] =	ssyncset.s32 @!p0 $0xFFFFF086;
	s6 =	sadd.s32 @!p0 s3, s7;
	s7 =	simm.s32 @!p0 $0x108  }
0x21: {  	s3 =	sadd.s32 s3, s9;
	s6 =	sadd.s32 @!p0 $0x88, s6;
	s7 =	simm.s32 @p2 $0x1082  }
0x22: {  	[simem:s7], [sflag:s8] =	dma.local @!p0 [hbm:s6], $0xF7A  }
0x23: {  	s9 =	sor.u32 $0xD0000000, s2;
	s6 =	simm.s32 $0x108;
	_ =	swait.ge @!p0 [sflag:s8], $0x0  }
0x24: {  	s3 =	sadd.s32 $0x88, s3;
	s6 =	simm.s32 @!p1 $0x1082;
	[sflag:s4] =	ssyncset.s32 $0xFFFFF086  }
0x25: {  	[simem:s6], [sflag:s4] =	dma.local [hbm:s3], $0xF7A  }
0x26: {  	[smem:$0x3F9A] =	sst s1;
	(tag) =	ssettag s2;
	_ =	strace s9  }
0x27: {  	s1 =	sld [smem:$0x3FAA]  }
0x28: {  	s2 =	sld [smem:$0x3FAB]  }
0x29: {  	s4 =	sld [smem:$0x3FAD]  }
0x2a: {  	p0 =	seq.s32 s5, $0x0;
	s5 =	sld [smem:$0x3FAE]  }
0x2b: {  	s6 =	sld [smem:$0x3FAF]  }
0x2c: {  	s7 =	sld [smem:$0x3FB0]  }
0x2d: {  	s3 =	simm.s32 $0x108;
	s8 =	sld [smem:$0x3FB1]  }
0x2e: {  	s3 =	simm.s32 @!p0 $0x1082;
	s9 =	sld [smem:$0x3FB2]  }
0x2f: {  	lr =	sadd.s32 s0, s3;
	s0 =	sld [smem:$0x3FA9]  }
0x30: {  	s3 =	sld [smem:$0x3FAC]  }
0x31: {  	[smem:$0x3FB5] =	sst s10  }
0x32: {  	s10 =	sld [smem:$0x3FB3];
	_ =	sdelay $0x3  }
0x33: {  	p0 =	seq.s32 s10, $0x1;
	s10 =	sld [smem:$0x3FB5];
	_ =	sdelay $0x3  }
0x34: {  	[smem:$0x3FB5] =	sst s10  }
0x35: {  	s10 =	sld [smem:$0x3FB4];
	_ =	sdelay $0x3  }
0x36: {  	p1 =	seq.s32 s10, $0x1;
	s10 =	sld [smem:$0x3FB5];
	_ =	sdelay $0x3  }
0x37: {  	[smem:$0x3FB5] =	sst s10  }
0x38: {  	s10 =	sld [smem:$0x3FB6]  }
0x39: {  	_ = 	snop;
	(pc) =	sbr.ind lr, $3  }
0x3a: {  	_ = 	snop  }
0x3b: {  	_ = 	snop  }
0x3c: {  	p2 =	seq.s32 s10, $0x1;
	s10 =	sld [smem:$0x3FB5]  }
0x3d: {  	_ =	shalt  }
0x3e: {  	_ =	shalt  }
0x3f: {  	_ =	shalt  }
0x40: {  	_ =	shalt  }
0x41: {  	_ =	shalt  }
0x42: {  	_ =	shalt  }
0x43: {  	_ =	shalt  }
0x44: {  	_ =	shalt  }
0x45: {  	_ =	shalt  }
0x46: {  	_ =	shalt  }
0x47: {  	_ =	shalt  }
0x48: {  	_ =	shalt  }
0x49: {  	_ =	shalt  }
0x4a: {  	_ =	shalt  }
0x4b: {  	_ =	shalt  }
0x4c: {  	_ =	shalt  }
0x4d: {  	_ =	shalt  }
0x4e: {  	_ =	shalt  }
0x4f: {  	_ =	shalt  }
0x50: {  	_ =	shalt  }
0x51: {  	_ =	shalt  }
0x52: {  	_ =	shalt  }
0x53: {  	_ =	shalt  }
0x54: {  	_ =	shalt  }
0x55: {  	_ =	shalt  }
0x56: {  	_ =	shalt  }
0x57: {  	_ =	shalt  }
0x58: {  	_ =	shalt  }
0x59: {  	_ =	shalt  }
0x5a: {  	_ =	shalt  }
0x5b: {  	_ =	shalt  }
0x5c: {  	_ =	shalt  }
0x5d: {  	_ =	shalt  }
0x5e: {  	_ =	shalt  }
0x5f: {  	_ =	shalt  }
0x60: {  	_ =	shalt  }
0x61: {  	_ =	shalt  }
0x62: {  	_ =	shalt  }
0x63: {  	_ =	shalt  }
0x64: {  	_ =	shalt  }
0x65: {  	_ =	shalt  }
0x66: {  	_ =	shalt  }
0x67: {  	_ =	shalt  }
0x68: {  	_ =	shalt  }
0x69: {  	_ =	shalt  }
0x6a: {  	_ =	shalt  }
0x6b: {  	_ =	shalt  }
0x6c: {  	_ =	shalt  }
0x6d: {  	_ =	shalt  }
0x6e: {  	_ =	shalt  }
0x6f: {  	_ =	shalt  }
0x70: {  	_ =	shalt  }
0x71: {  	_ =	shalt  }
0x72: {  	_ =	shalt  }
0x73: {  	_ =	shalt  }
0x74: {  	_ =	shalt  }
0x75: {  	_ =	shalt  }
0x76: {  	_ =	shalt  }
0x77: {  	_ =	shalt  }
0x78: {  	_ =	shalt  }
0x79: {  	_ =	shalt  }
0x7a: {  	_ =	shalt  }
0x7b: {  	_ =	shalt  }
0x7c: {  	_ =	shalt  }
0x7d: {  	_ =	shalt  }
0x7e: {  	_ =	shalt  }
0x7f: {  	_ =	shalt  }
0x80: {  	_ =	shalt  }
0x81: {  	_ =	shalt  }
0x82: {  	_ =	shalt  }
0x83: {  	_ =	shalt  }
0x84: {  	_ =	shalt  }
0x85: {  	_ =	shalt  }
0x86: {  	_ =	shalt  }
0x87: {  	_ =	shalt  }
.Lfunc_end0:
.L_simem_size_0:
called_computation_lowered:
.L_overlay_start_0:
0x88: {  	s2 =	sld [smem:$0x3FD9]  }
0x89: {  	s3 =	sld [smem:$0x3FFE];
	_ =	sdelay $0x1  }
0x8a: {  	s1 =	srdreg.scid  }
0x8b: {  	s0 =	sand.u32 $0x1, s1  }
0x8c: {  	s17 =	sshll.u32 s0, $0xA;
	s2 =	sadd.s32 s3, s2  }
0x8d: {  	s2 =	sadd.s32 s2, s17  }
0x8e: {  	[smem:$0x3FC1] =	sst s2  }
0x8f: {  	_ = 	snop  }
0x90: {  	s2 =	sld [smem:$0x3FD0];
	(tm) =	ssettm $0x1  }
0x91: {  	s18 =	sld [smem:$0x3FFB];
	_ =	sdelay $0x3  }
0x92: {  	_ =	strace s18  }
0x93: {  	s3 =	sld [smem:$0x3FFC];
	_ =	sdelay $0x3  }
0x94: {  	_ =	strace s3  }
0x95: {  	s3 =	sld [smem:$0x3FFD];
	_ =	sdelay $0x3  }
0x96: {  	_ =	strace s3  }
0x97: {  	_ =	strace $0x8FFFFFFF  }
0x98: {  	s19 =	sld [smem:$0x3FDB];
	_ =	sdelay $0x1  }
0x99: {  	s4 =	simm.s32 $_scs_section_size  }
0x9a: {  	s5 =	simm.s32 $_size__tile_overlayer_lowered;
	s6 =	simm.s32 $_tile_overlayer_lowered  }
0x9b: {  	s22 =	simm.s32 $0x1BFF;
	s21 =	sshll.u32 s6, $0x1;
	s3 =	sadd.s32 s4, s19  }
0x9c: {  	s7 =	simm.s32 $0x0;
	s20 =	sshll.u32 s5, $0x1;
	s5 =	sadd.s32 s21, s3  }
0x9d: {  	[timem:s7], [sflag:s22] =	dma.local [hbm:s5], s20  }
0x9e: {  	_ =	swait.ge [sflag:s22], s20  }
0x9f: {  	s4 =	ssub.s32 $0x0, s20;
	[sflag:s22] =	ssyncset.done $0x0  }
0xa0: {  	[sflag:s22] =	ssyncadd.s32 s4;
	_ =	sdelay $0x1  }
0xa1: {  	s23 =	simm.s32 $0x1B8B  }
0xa2: {  	_ =	swait.ge [sflag:s23], $0x1  }
0xa3: {  	[sflag:s23] =	ssyncset.done $0x0  }
0xa4: {  	s25 =	simm.s32 $0x1B8E;
	s24 =	sld [smem:$0x3FFE];
	[sflag:s23] =	ssyncadd.s32 $0xFFFFFFFF  }
0xa5: {  	s26 =	simm.s32 $execute0_lowered;
	[smem:$0x3FD2] =	sst s25  }
0xa6: {  	s5 =	sshll.u32 s26, $0x1;
	_ =	strace $0x80000046;
	[dreg:$0x1] =	wrdreg $0xFFFFFFFF  }
0xa7: {  	s28 =	simm.s32 $_size_execute0_lowered;
	s3 =	sadd.s32 s3, s5;
	[dreg:$0x0] =	wrdreg $0x0  }
0xa8: {  	s5 =	sshll.u32 s28, $0x1;
	[dreg:$0x2] =	wrdreg s3  }
0xa9: {  	[dreg:$0x3] =	wrdreg s5  }
0xaa: {  	[dreg:$0x4] =	wrdreg $0xC0  }
0xab: {  	_ =	task [dreg:s7], $0x5FFFF  }
0xac: {  	[dreg:$0x1] =	wrdreg $0xFFFFFFFF  }
0xad: {  	[dreg:$0x0] =	wrdreg $0x60  }
0xae: {  	[dreg:$0x2] =	wrdreg s24  }
0xaf: {  	[dreg:$0x3] =	wrdreg s2  }
0xb0: {  	[dreg:$0x4] =	wrdreg $0x9  }
0xb1: {  	_ =	task.clear_ibuf [dreg:s7], $0x5FFFF;
	_ =	strace $0x90000046  }
0xb2: {  	s29 =	simm.s32 $0x9;
	_ =	strace $0x80000048  }
0xb3: {  	_ =	swait.ge [sflag:s29], $0x1  }
0xb4: {  	[sflag:s29] =	ssyncadd.s32 $0xFFFFFFFF  }
0xb5: {  	_ =	strace $0x90000048  }
0xb6: {  	_ =	sfence  }
0xb7: {  	s30 =	sld [smem:$0x0];
	_ =	sdelay $0x2  }
0xb8: {  	s31 =	sshll.u32 s1, $0xD;
	s1 =	sshrl.u32 s1, $0x2  }
0xb9: {  	s3 =	sand.u32 $0x4000, s31;
	s1 =	sadd.s32 s1, s30  }
0xba: {  	s0 =	sor.u32 s3, s0;
	s1 =	sshll.u32 s1, $0x11  }
0xbb: {  	s0 =	sor.u32 s1, s0  }
0xbc: {  	s0 =	sadd.s32 $0x8F2B, s0  }
0xbd: {  	[sflag:s0] =	ssyncadd.remote.s32 $0x1  }
0xbe: {  	_ =	sfence.sel $0xFFFF  }
0xbf: {  	[dreg:$0x0] =	wrdreg $0xFFFFFFFF;
	(pc) =	sbr.abs _section_cstart, $3  }
0xc0: {  	[dreg:$0x1] =	wrdreg $0xFFFFFFFF  }
0xc1: {  	_ =	task.clear_ibuf [dreg:s7], $0x2FFFF;
	_ =	strace $0x9FFFFFFF  }
0xc2: {  	(tm) =	ssettm $0x7FFFFFFF  }
0xc3: {  	_ =	shalt  }
tec
execute0_lowered:
.L_overlay_start_1:
0x0: {  	(tag) =	ssettag $0x1  }
0x1: {  	s14 =	stileid.u32  }
0x2: {  	s0 =	rddreg [dreg:$0x0];
	s17 =	smul.u32 $0x1900, s14  }
0x3: {  	s1 =	rddreg [dreg:$0x1];
	s20 =	smul.u32 $0x640000, s14  }
0x4: {  	s2 =	simm.s32 $0x0;
	s3 =	srdreg.scid;
	s21 =	smul.u32 $0xC800, s14  }
0x5: {  	s30 =	simm.s32 $0x4;
	s6 =	sand.u32 $0x1, s3;
	s26 =	smul.u32 $0xC8000, s14  }
0x6: {  	s31 =	simm.s32 $0x8400;
	[smem:$0x7FF] =	sst s2;
	s4 =	smul.u32 $0xC80, s6  }
0x7: {  	s15 =	sshll.u32 s14, $0x1;
	s7 =	sadd.s32 $0xDD600, s0;
	s22 =	smul.u32 $0x6400, s6  }
0x8: {  	s8 =	sadd.s32 $0xC4600, s0;
	s10 =	sadd.s32 $0xC81000, s0;
	s24 =	smul.u32 $0x320000, s6  }
0x9: {  	s3 =	sor.u32 s6, s15;
	s11 =	ssub.s32 $0x2, s6;
	s6 =	smul.u32 $0x64000, s6  }
0xa: {  	s5 =	sadd.s32 $0xF6600, s0;
	_ =	strace $0x80000047;
	s9 =	smul.u32 $0xC80, s3  }
0xb: {  	s12 =	smul.u32 $0x19000, s3;
	s13 =	sshrl.u32 s11, $0x1;
	s23 =	sadd.s32 s17, s8  }
0xc: {  	s3 =	sadd.s32 $0x1000, s0;
	s16 =	ssub.s32 s11, s13;
	[dreg:$0x9] =	wrdreg s23  }
0xd: {  	s25 =	sadd.s32 s22, s21;
	s21 =	simm.s32 $0x200;
	s22 =	simm.s32 $0x4200  }
0xe: {  	s11 =	simm.s32 $0x40;
	s13 =	simm.s32 $0x5;
	s18 =	sadd.s32 s7, s9  }
0xf: {  	s19 =	sadd.s32 s8, s9;
	s12 =	sadd.s32 s10, s12;
	[dreg:$0x3] =	wrdreg s18  }
0x10: {  	s9 =	sor.u32 $0x20, s9;
	s0 =	smax.u32 s16, $0x1;
	[dreg:$0x4] =	wrdreg s19  }
0x11: {  	[dreg:$0x5] =	wrdreg s12;
	s15 =	sadd.s32 s7, s9;
	s9 =	sadd.s32 s8, s9  }
0x12: {  	[dreg:$0x8] =	wrdreg s0;
	s7 =	sadd.s32 s17, s7;
	s0 =	sadd.s32 s24, s20  }
0x13: {  	s8 =	sadd.s32 s26, s1;
	s19 =	simm.s32 $0x1;
	[dreg:$0x6] =	wrdreg s15  }
0x14: {  	s20 =	simm.s32 $0x80;
	s26 =	simm.s32 $0x6200;
	[dreg:$0x7] =	wrdreg s9  }
0x15: {  	s12 =	simm.s32 $0x20;
	[dreg:$0xa] =	wrdreg s7;
	s7 =	sshll.u32 s25, $0x2  }
.Ltmp0:
0x16: {  	s0 =	sshrl.u32 s0, $0x3;
	s16 =	sadd.s32 s6, s8;
	(pc) =	sbr.rel .LBB2_1-.Ltmp0, $4  }
0x17: {  	s9 =	simm.s32 $0xE400;
	s15 =	simm.s32 $0x3;
	s7 =	sadd.s32 s7, s10  }
0x18: {  	s8 =	simm.s32 $0x100;
	s14 =	sadd.s32 s0, s1;
	s28 =	sadd.s32 $0x800, s7  }
0x19: {  	s0 =	simm.s32 $0xC400;
	s29 =	sadd.s32 $0x400, s7;
	[dreg:$0xb] =	wrdreg s28  }
0x1a: {  	s10 =	simm.s32 $0x2;
	s7 =	simm.s32 $0x0;
	[dreg:$0xc] =	wrdreg s29  }
.LBB2_4:
0x1b: {  	s6 =	simm.s32 $0x6  }
0x1c: {  	_ =	swait.ge [sflag:s6], $0x4000  }
0x1d: {  	[sflag:s6] =	ssyncset.done $0x0  }
0x1e: {  	[sflag:s6] =	ssyncadd.s32 $0xFFFFC000  }
0x1f: {  	_ =	swait.ge [sflag:s6], $0x2000  }
0x20: {  	[sflag:s6] =	ssyncset.done $0x0  }
0x21: {  	[sflag:s6] =	ssyncadd.s32 $0xFFFFE000  }
0x22: {  	_ =	swait.ge [sflag:s6], $0x2000  }
0x23: {  	s7 =	rddreg [dreg:$0xd]  }
0x24: {  	s1 =	rddreg [dreg:$0x8];
	s7 =	sadd.s32 $0x1, s7  }
0x25: {  	p0 =	sne.s32 s7, s1  }
.Ltmp1:
0x26: {  	_ = 	snop;
	(pc) =	sbr.rel @!p0 .LBB2_5-.Ltmp1, $3  }
0x27: {  	_ =	sdelay $0x1  }
0x28: {  	[sflag:s6] =	ssyncset.done $0x0  }
0x29: {  	[sflag:s6] =	ssyncadd.s32 $0xFFFFE000  }
.LBB2_1:
0x2a: {  	[dreg:$0xd] =	wrdreg s7  }
0x2b: {  	s1 =	rddreg [dreg:$0x3]  }
0x2c: {  	[tilespmem:s2], [sflag:$0x1] =	stream.linear.gather [hbm4b:s1+s2], $0x100, $0x38;
	[tilespmem:$0x10400] =	vst v63  }
0x2d: {  	s29 =	rddreg [dreg:$0x4];
	s6 =	simm.s32 $0x100  }
0x2e: {  	[tilespmem:s6], [sflag:$0x1] =	stream.linear.gather [hbm4b:s29+s2], $0x100, $0x38;
	[tilespmem:$0x10400] =	vst v63  }
0x2f: {  	_ =	swait.ge [sflag:s19], $0x100  }
0x30: {  	[sflag:s19] =	ssyncset.done $0x0  }
0x31: {  	[sflag:s19] =	ssyncadd.s32 $0xFFFFFF00  }
0x32: {  	_ =	swait.ge [sflag:s19], $0x100  }
0x33: {  	[sflag:s19] =	ssyncset.done $0x0  }
0x34: {  	[sflag:s19] =	ssyncadd.s32 $0xFFFFFF00  }
0x35: {  	[tilespmem:s21], [sflag:$0x2] =	stream.indirect.gather [hbm4b:s3+s20], $0x40, s2, s20, $0xb8;
	[tilespmem:$0x10400] =	vst v63  }
0x36: {  	s23 =	rddreg [dreg:$0x5]  }
0x37: {  	[tilespmem:s22], [sflag:$0x2] =	stream.indirect.gather [hbm4b:s5+s20], $0x20, s6, s20, $0xb8;
	[tilespmem:$0x10400] =	vst v63  }
0x38: {  	s7 =	simm.s32 $0x2200;
	s24 =	rddreg [dreg:$0x6]  }
0x39: {  	[tilespmem:s7], [sflag:$0x2] =	stream.indirect.gather [hbm4b:s3+s20], $0x40, s20, s20, $0xb8;
	[tilespmem:$0x10400] =	vst v63  }
0x3a: {  	s17 =	simm.s32 $0x180;
	s18 =	simm.s32 $0x5200;
	s28 =	rddreg [dreg:$0x7]  }
0x3b: {  	[tilespmem:s18], [sflag:$0x2] =	stream.indirect.gather [hbm4b:s5+s20], $0x20, s17, s20, $0xb8;
	[tilespmem:$0x10400] =	vst v63  }
0x3c: {  	s17 =	rddreg [dreg:$0xc]  }
0x3d: {  	[tilespmem:s26], [sflag:$0x2] =	stream.linear.gather [hbm4b:s23+s2], $0x2000, $0x38;
	[tilespmem:$0x10400] =	vst v63  }
0x3e: {  	s25 =	simm.s32 $0x8200;
	s23 =	rddreg [dreg:$0xb]  }
0x3f: {  	[tilespmem:s25], [sflag:$0x4] =	stream.linear.gather [hbm4b:s24+s2], $0x100, $0x38;
	[tilespmem:$0x10400] =	vst v63  }
0x40: {  	s24 =	rddreg [dreg:$0xa]  }
0x41: {  	s29 =	simm.s32 $0x8300;
	s18 =	simm.s32 $0x0;
	s25 =	rddreg [dreg:$0x9]  }
0x42: {  	[tilespmem:s29], [sflag:$0x4] =	stream.linear.gather [hbm4b:s28+s2], $0x100, $0x38;
	[tilespmem:$0x10400] =	vst v63  }
.LBB2_2:
0x43: {  	p0 =	seq.s32 s18, $0x0  }
0x44: {  	s1 =	simm.s32 @!p0 $0x6  }
0x45: {  	_ =	swait.ge @!p0 [sflag:s1], $0x4000  }
0x46: {  	[sflag:s1] =	ssyncset.done @!p0 $0x0  }
0x47: {  	[sflag:s1] =	ssyncadd.s32 @!p0 $0xFFFFC000  }
0x48: {  	_ =	swait.ge @!p0 [sflag:s1], $0x2000  }
0x49: {  	[sflag:s1] =	ssyncset.done @!p0 $0x0  }
0x4a: {  	[sflag:s1] =	ssyncadd.s32 @!p0 $0xFFFFE000  }
0x4b: {  	_ =	swait.ge @!p0 [sflag:s1], $0x2000  }
0x4c: {  	[sflag:s1] =	ssyncset.done @!p0 $0x0  }
0x4d: {  	[sflag:s1] =	ssyncadd.s32 @!p0 $0xFFFFE000  }
0x4e: {  	_ =	swait.ge [sflag:s30], $0x100  }
0x4f: {  	[sflag:s30] =	ssyncset.done $0x0  }
0x50: {  	[sflag:s30] =	ssyncadd.s32 $0xFFFFFF00  }
0x51: {  	_ =	swait.ge [sflag:s30], $0x100  }
0x52: {  	[sflag:s30] =	ssyncset.done $0x0  }
0x53: {  	s29 =	simm.s32 $0x8200;
	[sflag:s30] =	ssyncadd.s32 $0xFFFFFF00  }
0x54: {  	[tilespmem:s31], [sflag:$0x5] =	stream.indirect.gather [hbm4b:s3+s20], $0x40, s29, s20, $0xb8;
	[tilespmem:$0x10400] =	vst v63  }
0x55: {  	s6 =	simm.s32 $0x8300  }
0x56: {  	[tilespmem:s0], [sflag:$0x5] =	stream.indirect.gather [hbm4b:s5+s20], $0x20, s6, s20, $0xb8;
	[tilespmem:$0x10400] =	vst v63  }
0x57: {  	s7 =	simm.s32 $0x8280;
	s6 =	simm.s32 $0xA400  }
0x58: {  	[tilespmem:s6], [sflag:$0x5] =	stream.indirect.gather [hbm4b:s3+s20], $0x40, s7, s20, $0xb8;
	[tilespmem:$0x10400] =	vst v63  }
0x59: {  	s28 =	simm.s32 $0x8380;
	s29 =	simm.s32 $0xD400  }
0x5a: {  	[tilespmem:s29], [sflag:$0x5] =	stream.indirect.gather [hbm4b:s5+s20], $0x20, s28, s20, $0xb8;
	[tilespmem:$0x10400] =	vst v63  }
0x5b: {  	_ = 	snop  }
0x5c: {  	[tilespmem:s9], [sflag:$0x5] =	stream.linear.gather [hbm4b:s17+s2], $0x2000, $0x38;
	[tilespmem:$0x10400] =	vst v63  }
0x5d: {  	_ =	swait.ge [sflag:s10], $0x2000  }
0x5e: {  	[sflag:s10] =	ssyncset.done $0x0  }
0x5f: {  	[sflag:s10] =	ssyncadd.s32 $0xFFFFE000  }
0x60: {  	_ =	swait.ge [sflag:s10], $0x1000  }
0x61: {  	[sflag:s10] =	ssyncset.done $0x0  }
0x62: {  	[sflag:s10] =	ssyncadd.s32 $0xFFFFF000  }
0x63: {  	_ =	swait.ge [sflag:s10], $0x2000  }
0x64: {  	[sflag:s10] =	ssyncset.done $0x0  }
0x65: {  	[sflag:s10] =	ssyncadd.s32 $0xFFFFE000  }
0x66: {  	_ =	swait.ge [sflag:s10], $0x1000  }
0x67: {  	[sflag:s10] =	ssyncset.done $0x0  }
0x68: {  	[sflag:s10] =	ssyncadd.s32 $0xFFFFF000  }
0x69: {  	p0 =	seq.s32 s18, $0x62000;
	_ =	swait.ge [sflag:s10], $0x2000  }
0x6a: {  	s1 =	sadd.s32 @!p0 s24, s4;
	[sflag:s10] =	ssyncset.done $0x0  }
0x6b: {  	s6 =	simm.s32 @!p0 $0x0;
	s28 =	sadd.s32 @!p0 $0x40, s1;
	[sflag:s10] =	ssyncadd.s32 $0xFFFFE000  }
0x6c: {  	[tilespmem:s6], [sflag:$0x1] =	stream.linear.gather @!p0 [hbm4b:s28+s6], $0x100, $0x38;
	[tilespmem:$0x10400] =	vst v63  }
0x6d: {  	s28 =	sadd.s32 @!p0 s25, s4  }
0x6e: {  	s7 =	simm.s32 @!p0 $0x100;
	s29 =	sadd.s32 @!p0 $0x40, s28  }
0x6f: {  	[tilespmem:s7], [sflag:$0x1] =	stream.linear.gather @!p0 [hbm4b:s29+s6], $0x100, $0x38;
	[tilespmem:$0x10400] =	vst v63  }
0x70: {  	s7 =	sadd.s32 s18, s14  }
0x71: {  	[hbm4b:s7+s11] =	stream.strided.scatter [tilespmem:s21], [sflag:$0x3], $0x4000, s20, s11, $0x38;
	[tilespmem:$0x10400] =	vst v63  }
0x72: {  	s29 =	sadd.s32 $0x8, s7  }
0x73: {  	[hbm4b:s29+s12] =	stream.strided.scatter [tilespmem:s22], [sflag:$0x3], $0x2000, s20, s12, $0x38;
	[tilespmem:$0x10400] =	vst v63  }
0x74: {  	s7 =	sadd.s32 $0xC, s7  }
0x75: {  	[hbm4b:s7+s12] =	stream.strided.scatter [tilespmem:s26], [sflag:$0x3], $0x2000, s20, s12, $0x38;
	[tilespmem:$0x10400] =	vst v63  }
0x76: {  	_ =	swait.ge [sflag:s13], $0x2000  }
0x77: {  	[sflag:s13] =	ssyncset.done $0x0  }
0x78: {  	[sflag:s13] =	ssyncadd.s32 $0xFFFFE000  }
0x79: {  	_ =	swait.ge [sflag:s13], $0x1000  }
0x7a: {  	[sflag:s13] =	ssyncset.done $0x0  }
0x7b: {  	[sflag:s13] =	ssyncadd.s32 $0xFFFFF000  }
0x7c: {  	_ =	swait.ge [sflag:s13], $0x2000  }
0x7d: {  	[sflag:s13] =	ssyncset.done $0x0  }
0x7e: {  	[sflag:s13] =	ssyncadd.s32 $0xFFFFE000  }
0x7f: {  	_ =	swait.ge [sflag:s13], $0x1000  }
0x80: {  	[sflag:s13] =	ssyncset.done $0x0  }
0x81: {  	[sflag:s13] =	ssyncadd.s32 $0xFFFFF000  }
0x82: {  	_ =	swait.ge [sflag:s13], $0x2000  }
0x83: {  	[sflag:s13] =	ssyncset.done $0x0  }
0x84: {  	s1 =	sadd.s32 @!p0 $0x60, s1;
	s7 =	simm.s32 @!p0 $0x8200;
	[sflag:s13] =	ssyncadd.s32 $0xFFFFE000  }
0x85: {  	[tilespmem:s7], [sflag:$0x4] =	stream.linear.gather @!p0 [hbm4b:s1+s6], $0x100, $0x38;
	[tilespmem:$0x10400] =	vst v63  }
0x86: {  	s1 =	sadd.s32 @!p0 $0x60, s28;
	s7 =	simm.s32 @!p0 $0x8300  }
0x87: {  	[tilespmem:s7], [sflag:$0x4] =	stream.linear.gather @!p0 [hbm4b:s1+s6], $0x100, $0x38;
	[tilespmem:$0x10400] =	vst v63  }
0x88: {  	s7 =	sadd.s32 s18, s16  }
0x89: {  	s28 =	sadd.s32 $0x1000, s7  }
0x8a: {  	[hbm4b:s28+s11] =	stream.strided.scatter [tilespmem:s31], [sflag:$0x6], $0x4000, s20, s11, $0x38;
	[tilespmem:$0x10400] =	vst v63  }
0x8b: {  	s29 =	sadd.s32 $0x1008, s7  }
0x8c: {  	[hbm4b:s29+s12] =	stream.strided.scatter [tilespmem:s0], [sflag:$0x6], $0x2000, s20, s12, $0x38;
	[tilespmem:$0x10400] =	vst v63  }
0x8d: {  	s1 =	sadd.s32 $0x100C, s7  }
0x8e: {  	[hbm4b:s1+s12] =	stream.strided.scatter [tilespmem:s9], [sflag:$0x6], $0x2000, s20, s12, $0x38;
	[tilespmem:$0x10400] =	vst v63  }
0x8f: {  	_ =	swait.ge [sflag:s15], $0x4000  }
0x90: {  	[sflag:s15] =	ssyncset.done $0x0  }
0x91: {  	[sflag:s15] =	ssyncadd.s32 $0xFFFFC000  }
0x92: {  	_ =	swait.ge [sflag:s15], $0x2000  }
.Ltmp2:
0x93: {  	[sflag:s15] =	ssyncset.done $0x0;
	(pc) =	sbr.rel @p0 .LBB2_4-.Ltmp2, $4  }
0x94: {  	[sflag:s15] =	ssyncadd.s32 $0xFFFFE000  }
0x95: {  	_ =	swait.ge [sflag:s15], $0x2000  }
0x96: {  	[sflag:s15] =	ssyncset.done $0x0  }
0x97: {  	[sflag:s15] =	ssyncadd.s32 $0xFFFFE000  }
0x98: {  	_ =	swait.ge [sflag:s19], $0x100  }
0x99: {  	[sflag:s19] =	ssyncset.done $0x0  }
0x9a: {  	[sflag:s19] =	ssyncadd.s32 $0xFFFFFF00  }
0x9b: {  	_ =	swait.ge [sflag:s19], $0x100  }
0x9c: {  	[sflag:s19] =	ssyncset.done $0x0  }
0x9d: {  	[sflag:s19] =	ssyncadd.s32 $0xFFFFFF00  }
0x9e: {  	[tilespmem:s21], [sflag:$0x2] =	stream.indirect.gather [hbm4b:s3+s20], $0x40, s2, s20, $0xb8;
	[tilespmem:$0x10400] =	vst v63  }
0x9f: {  	_ = 	snop  }
0xa0: {  	[tilespmem:s22], [sflag:$0x2] =	stream.indirect.gather [hbm4b:s5+s20], $0x20, s8, s20, $0xb8;
	[tilespmem:$0x10400] =	vst v63  }
0xa1: {  	s1 =	simm.s32 $0x2200  }
0xa2: {  	[tilespmem:s1], [sflag:$0x2] =	stream.indirect.gather [hbm4b:s3+s20], $0x40, s20, s20, $0xb8;
	[tilespmem:$0x10400] =	vst v63  }
.Ltmp3:
0xa3: {  	s29 =	simm.s32 $0x180;
	s6 =	simm.s32 $0x5200;
	(pc) =	sbr.rel .LBB2_2-.Ltmp3, $4  }
0xa4: {  	[tilespmem:s6], [sflag:$0x2] =	stream.indirect.gather [hbm4b:s5+s20], $0x20, s29, s20, $0xb8;
	[tilespmem:$0x10400] =	vst v63  }
0xa5: {  	s25 =	sadd.s32 $0x40, s25;
	s24 =	sadd.s32 $0x40, s24  }
0xa6: {  	[tilespmem:s26], [sflag:$0x2] =	stream.linear.gather [hbm4b:s23+s2], $0x2000, $0x38;
	[tilespmem:$0x10400] =	vst v63  }
0xa7: {  	s18 =	sadd.s32 $0x2000, s18;
	s17 =	sadd.s32 $0x800, s17;
	s23 =	sadd.s32 $0x800, s23  }
.LBB2_5:
0xa8: {  	_ =	sfence.sel $0x180000  }
0xa9: {  	[bflag:$0x0] =	sbarrier.arrive $0xFFFF  }
0xaa: {  	_ =	strace $0x90000047  }
0xab: {  	s0 =	stileid.u32;
	[bflag:$0x2] =	sbarrier.arrive $0xFFFF  }
0xac: {  	p0 =	sne.s32 s0, $0x0;
	s0 =	rddreg [dreg:$0x2]  }
0xad: {  	s0 =	sadd.s32 @!p0 $0x100000, s0  }
0xae: {  	[sflag:s0] =	ssyncadd.tile.s32 @!p0 $0x1;
	_ =	shalt  }
.Lfunc_end2:
_tile_overlayer_lowered:
.L_overlay_start_2:
0xaf: {  	(tag) =	ssettag $0x2  }
0xb0: {  	s0 =	rddreg [dreg:$0x0];
	s2 =	stileid.u32  }
0xb1: {  	s1 =	rddreg [dreg:$0x1];
	p0 =	sne.s32 s2, $0x0  }
0xb2: {  	s3 =	rddreg [dreg:$0x2];
	[bflag:$0x3] =	sbarrier.arrive $0xFFFF;
	s2 =	simm.s32 @!p0 $0x1C07  }
0xb3: {  	[timem:s3], [sflag:s2] =	dma.local @!p0 [hbm:s0], s1  }
0xb4: {  	s0 =	simm.s32 @!p0 $0x7  }
0xb5: {  	_ =	swait.ge @!p0 [sflag:s0], s1  }
0xb6: {  	s1 =	ssub.s32 @!p0 $0x0, s1;
	[sflag:s0] =	ssyncset.done @!p0 $0x0  }
0xb7: {  	[sflag:s0] =	ssyncadd.s32 @!p0 s1  }
0xb8: {  	[bflag:$0x3] =	sbarrier.arrive $0xFFFF  }
0xb9: {  	_ =	shalt  }

</sc_bundles>
